<compile_context>
chip_gen: v7x
topology: tpu7x:2x2x1
jax: 0.10.2.dev20260603
libtpu: 0.0.44.dev20260713+nightly
codegen_flags: <defaults>
</compile_context>

<pallas_src>
import functools

import jax
import jax.numpy as jnp
from jax import lax
from jax.experimental import pallas as pl
from jax.experimental.pallas import tpu as pltpu
from jax.experimental.pallas import tpu_sc as plsc

NC = 2
NS = 16
NW = NC * NS
CH = 128
SBK = 1024
SB = 128
TILE = 2048
PK = 4


def _mesh():
    return plsc.VectorSubcoreMesh(
        core_axis_name="c", subcore_axis_name="s", num_cores=NC, num_subcores=NS
    )


@functools.lru_cache(maxsize=None)
def _sc_gather(T, B, D):
    TPW = T // NW
    NSB = TPW // SBK
    NGH = SBK // CH
    BPW = B // NW
    assert NSB % 2 == 0

    def body(hist_flat, item_id, table, hist_o, tgt_o,
             idx_a, idx_b, rows_a, rows_b, gsem_a, gsem_b, wsem_a, wsem_b):
        c = lax.axis_index("c")
        s = lax.axis_index("s")
        wid = s * NC + c
        base = wid * TPW
        idx = (idx_a, idx_b)
        rows = (rows_a, rows_b)
        gsem = (gsem_a, gsem_b)
        wsem = (wsem_a, wsem_b)

        def fire_gathers(sb, slot):
            start = base + sb * SBK
            pltpu.sync_copy(hist_flat.at[pl.ds(start, SBK)], idx[slot])
            for k in range(NGH):
                pltpu.async_copy(
                    table.at[idx[slot].at[pl.ds(k * CH, CH)]],
                    rows[slot].at[pl.ds(k * CH, CH)],
                    gsem[slot],
                )

        def drain_gathers(slot):
            pltpu.make_async_copy(
                hist_o.at[pl.ds(0, SBK)], rows[slot], gsem[slot]
            ).wait()

        def fire_write(sb, slot):
            start = base + sb * SBK
            pltpu.async_copy(rows[slot], hist_o.at[pl.ds(start, SBK)], wsem[slot])

        def drain_write(slot):
            pltpu.make_async_copy(
                rows[slot], hist_o.at[pl.ds(0, SBK)], wsem[slot]
            ).wait()

        fire_gathers(0, 0)

        def pair(p, carry):
            for phase in range(2):
                sb = 2 * p + phase
                slot = phase
                other = 1 - phase
                drain_gathers(slot)

                @pl.when(sb > 0)
                def _():
                    drain_write(other)

                @pl.when(sb + 1 < NSB)
                def _():
                    fire_gathers(sb + 1, other)

                fire_write(sb, slot)
            return carry

        lax.fori_loop(0, NSB // 2, pair, 0)
        drain_write(1)

        bstart = wid * BPW
        pltpu.sync_copy(item_id.at[pl.ds(bstart, BPW)], idx_a.at[pl.ds(0, BPW)])
        for k in range(BPW // CH):
            pltpu.async_copy(
                table.at[idx_a.at[pl.ds(k * CH, CH)]],
                rows_a.at[pl.ds(k * CH, CH)],
                gsem_a,
            )
        pltpu.make_async_copy(
            hist_o.at[pl.ds(0, BPW)], rows_a.at[pl.ds(0, BPW)], gsem_a
        ).wait()
        pltpu.sync_copy(rows_a.at[pl.ds(0, BPW)], tgt_o.at[pl.ds(bstart, BPW)])

    return pl.kernel(
        body,
        out_type=(
            jax.ShapeDtypeStruct((T, D), jnp.bfloat16),
            jax.ShapeDtypeStruct((B, D), jnp.bfloat16),
        ),
        mesh=_mesh(),
        scratch_types=(
            pltpu.VMEM((SBK,), jnp.int32),
            pltpu.VMEM((SBK,), jnp.int32),
            pltpu.VMEM((SBK, D), jnp.bfloat16),
            pltpu.VMEM((SBK, D), jnp.bfloat16),
            pltpu.SemaphoreType.DMA,
            pltpu.SemaphoreType.DMA,
            pltpu.SemaphoreType.DMA,
            pltpu.SemaphoreType.DMA,
        ),
        compiler_params=pltpu.CompilerParams(
            needs_layout_passes=False, use_tc_tiling_on_sc=False
        ),
    )


@functools.lru_cache(maxsize=None)
def _tc_din(T, B, D, H1, H2):
    G = B // SB
    JOBS = T // TILE + G

    def body(jobs, cub_ref, tgt_ref, w1_ref, b1_ref, w2_ref, b2_ref,
             fw1_ref, fb1_ref, fw2_ref, fb2_ref, fw3_ref, fb3_ref,
             e_ref, out_ref, acc_e_ref, acc_w_ref):
        j = pl.program_id(0)
        tok0 = jobs[1, j] * TILE

        @pl.when(jobs[2, j] == 1)
        def _():
            acc_e_ref[...] = jnp.zeros_like(acc_e_ref)
            acc_w_ref[...] = jnp.zeros_like(acc_w_ref)

        lo_row = cub_ref[0, 0, 0:SB].reshape(1, SB)
        hi_row = cub_ref[0, 0, 1:SB + 1].reshape(1, SB)
        tgt_blk = tgt_ref[...]
        iota16 = lax.broadcasted_iota(jnp.int16, (TILE, SB), 0)
        e_bf = e_ref[...]
        lo16 = jnp.clip(lo_row - tok0, -2, TILE + 1).astype(jnp.int16)
        hi16 = jnp.clip(hi_row - tok0, -2, TILE + 1).astype(jnp.int16)
        mf = jnp.where(
            (iota16 >= lo16) & (iota16 < hi16),
            jnp.ones((), jnp.bfloat16), jnp.zeros((), jnp.bfloat16),
        )
        tb = jnp.dot(
            mf, tgt_blk, preferred_element_type=jnp.float32
        ).astype(jnp.bfloat16)
        w1h = w1_ref[0:D, :]
        w1t = w1_ref[D:2 * D, :]
        w1x = w1_ref[2 * D:3 * D, :]
        z = (jnp.dot(e_bf, w1h, preferred_element_type=jnp.float32)
             + jnp.dot(tb, w1t, preferred_element_type=jnp.float32)
             + jnp.dot(e_bf * tb, w1x, preferred_element_type=jnp.float32))
        z = jnp.maximum(z + b1_ref[...], 0.0).astype(jnp.bfloat16)
        sc = jnp.dot(z, w2_ref[...], preferred_element_type=jnp.float32)
        w = jnp.exp(sc + b2_ref[0, 0])
        wm = mf * w.astype(jnp.bfloat16)
        ones_col = jnp.ones((TILE, 1), jnp.bfloat16)
        acc_e_ref[...] += lax.dot_general(
            wm, e_bf, (((0,), (0,)), ((), ())),
            preferred_element_type=jnp.float32,
        )
        acc_w_ref[...] += lax.dot_general(
            wm, ones_col, (((0,), (0,)), ((), ())),
            preferred_element_type=jnp.float32,
        )

        @pl.when(jobs[3, j] == 1)
        def _():
            weighted = acc_e_ref[...] / (acc_w_ref[...] + 1e-9)
            comb = jnp.concatenate(
                [tgt_blk.astype(jnp.float32), weighted], axis=1)
            h1 = jnp.maximum(
                jnp.dot(comb, fw1_ref[...], preferred_element_type=jnp.float32)
                + fb1_ref[...], 0.0)
            h2 = jnp.maximum(
                jnp.dot(h1, fw2_ref[...], preferred_element_type=jnp.float32)
                + fb2_ref[...], 0.0)
            o = jax.nn.sigmoid(
                jnp.dot(h2, fw3_ref[...], preferred_element_type=jnp.float32)
                + fb3_ref[0, 0])
            out_ref[...] = o

    grid_spec = pltpu.PrefetchScalarGridSpec(
        num_scalar_prefetch=1,
        grid=(JOBS,),
        in_specs=[
            pl.BlockSpec((1, 1, 2 * SB), lambda j, sp: (sp[0, j], 0, 0)),
            pl.BlockSpec((SB, D), lambda j, sp: (sp[0, j], 0)),
            pl.BlockSpec((3 * D, D), lambda j, sp: (0, 0)),
            pl.BlockSpec((1, D), lambda j, sp: (0, 0)),
            pl.BlockSpec((D, 1), lambda j, sp: (0, 0)),
            pl.BlockSpec((1, 1), lambda j, sp: (0, 0)),
            pl.BlockSpec((2 * D, H1), lambda j, sp: (0, 0)),
            pl.BlockSpec((1, H1), lambda j, sp: (0, 0)),
            pl.BlockSpec((H1, H2), lambda j, sp: (0, 0)),
            pl.BlockSpec((1, H2), lambda j, sp: (0, 0)),
            pl.BlockSpec((H2, 1), lambda j, sp: (0, 0)),
            pl.BlockSpec((1, 1), lambda j, sp: (0, 0)),
            pl.BlockSpec((TILE, D), lambda j, sp: (sp[1, j], 0)),
        ],
        out_specs=pl.BlockSpec((SB, 1), lambda j, sp: (sp[0, j], 0)),
        scratch_shapes=[
            pltpu.VMEM((SB, D), jnp.float32),
            pltpu.VMEM((SB, 1), jnp.float32),
        ],
    )
    return pl.pallas_call(
        body,
        grid_spec=grid_spec,
        out_shape=jax.ShapeDtypeStruct((B, 1), jnp.float32),
    )


def kernel(item_id, hist_flat, cu_seqlens, item_table,
           att_W1, att_b1, att_W2, att_b2,
           fc_W1, fc_b1, fc_W2, fc_b2, fc_W3, fc_b3):
    B = item_id.shape[0]
    T = hist_flat.shape[0]
    D = item_table.shape[1]
    H1 = fc_W1.shape[1]
    H2 = fc_W2.shape[1]
    G = B // SB

    table_bf = item_table.astype(jnp.bfloat16)
    hist, tgt = _sc_gather(T, B, D)(hist_flat, item_id, table_bf)

    cu = cu_seqlens.astype(jnp.int32)
    cub = jnp.concatenate(
        [
            cu[:-1].reshape(G, SB),
            cu[SB::SB].reshape(G, 1),
            jnp.full((G, SB - 1), jnp.int32(T)),
        ],
        axis=1,
    ).reshape(G, 1, 2 * SB)

    JOBS = T // TILE + G
    starts = cu[0:B:SB]
    ends = cu[SB:B + 1:SB]
    t0 = starts // TILE
    nt = jnp.maximum((ends + (TILE - 1)) // TILE - t0, 1)
    offs = jnp.concatenate([jnp.zeros((1,), jnp.int32), jnp.cumsum(nt)]).astype(jnp.int32)
    jj = jnp.arange(JOBS, dtype=jnp.int32)
    jg = jnp.clip(jnp.searchsorted(offs, jj, side="right") - 1, 0, G - 1).astype(jnp.int32)
    jk = jj - offs[jg]
    jtile = t0[jg] + jnp.minimum(jk, nt[jg] - 1)
    jfirst = (jk == 0).astype(jnp.int32)
    jlast = (jk == nt[jg] - 1).astype(jnp.int32)
    jobs = jnp.stack([jg, jtile, jfirst, jlast])

    out = _tc_din(T, B, D, H1, H2)(
        jobs, cub, tgt,
        att_W1.astype(jnp.bfloat16), att_b1.reshape(1, D),
        att_W2.astype(jnp.bfloat16), att_b2.reshape(1, 1),
        fc_W1, fc_b1.reshape(1, H1), fc_W2, fc_b2.reshape(1, H2),
        fc_W3, fc_b3.reshape(1, 1),
        hist,
    )
    return out

# --- scband reference (transcript-rebuilt; emitter-appended) ---
"""Pipeline reference for scband-din-54065048322145 (READ-ONLY COPY).

The authoritative reference and input builder live on the scoring server;
editing this copy changes nothing except your own understanding.
"""

import jax, jax.numpy as jnp
import numpy as np

NUM_ITEMS = 1000000
D = 32
B = 16384
T = 1638400

def _xavier(key, shape):
    fan_in, fan_out = shape[0], shape[1]
    std = (2.0 / (fan_in + fan_out)) ** 0.5
    return jax.random.normal(key, shape, dtype=jnp.float32) * std

def setup_inputs(seed: int = 0):
    key = jax.random.key(seed)
    ks = jax.random.split(key, 16)
    item_id = jax.random.randint(ks[0], (B,), 0, NUM_ITEMS, dtype=jnp.int32)
    hist_flat = jax.random.randint(ks[1], (T,), 0, NUM_ITEMS, dtype=jnp.int32)
    inner = jnp.sort(jax.random.randint(ks[2], (B - 1,), 0, T, dtype=jnp.int32))
    cu_seqlens = jnp.concatenate([jnp.zeros((1,), jnp.int32), inner, jnp.full((1,), T, jnp.int32)])
    item_table = _xavier(ks[3], (NUM_ITEMS, D))
    att_W1 = _xavier(ks[4], (3 * D, D)); att_b1 = jnp.zeros((D,), jnp.float32)
    att_W2 = _xavier(ks[5], (D, 1)); att_b2 = jnp.zeros((1,), jnp.float32)
    fc_W1 = _xavier(ks[6], (2 * D, 128)); fc_b1 = jnp.zeros((128,), jnp.float32)
    fc_W2 = _xavier(ks[7], (128, 64)); fc_b2 = jnp.zeros((64,), jnp.float32)
    fc_W3 = _xavier(ks[8], (64, 1)); fc_b3 = jnp.zeros((1,), jnp.float32)
    return {"item_id": item_id, "hist_flat": hist_flat, "cu_seqlens": cu_seqlens, "item_table": item_table, "att_W1": att_W1, "att_b1": att_b1, "att_W2": att_W2, "att_b2": att_b2, "fc_W1": fc_W1, "fc_b1": fc_b1, "fc_W2": fc_W2, "fc_b2": fc_b2, "fc_W3": fc_W3, "fc_b3": fc_b3}

def reference(item_id, hist_flat, cu_seqlens, item_table, att_W1, att_b1, att_W2, att_b2, fc_W1, fc_b1, fc_W2, fc_b2, fc_W3, fc_b3):
    Tn = hist_flat.shape[0]
    Bn = item_id.shape[0]
    seg = jnp.clip(jnp.searchsorted(cu_seqlens, jnp.arange(Tn, dtype=jnp.int32), side='right') - 1, 0, Bn - 1)
    tgt = jnp.take(item_table, item_id, axis=0)
    hist = jnp.take(item_table, hist_flat, axis=0)
    tgt_t = jnp.take(tgt, seg, axis=0)
    feat = jnp.concatenate([hist, tgt_t, hist * tgt_t], axis=-1)
    h = jax.nn.relu(feat @ att_W1 + att_b1)
    scores = (h @ att_W2 + att_b2)[:, 0]
    m = jax.ops.segment_max(scores, seg, num_segments=Bn)
    m = jnp.where(jnp.isfinite(m), m, 0.0)
    w = jnp.exp(scores - jnp.take(m, seg))
    denom = jax.ops.segment_sum(w, seg, num_segments=Bn)
    attn = w / (jnp.take(denom, seg) + 1e-9)
    weighted = jax.ops.segment_sum(attn[:, None] * hist, seg, num_segments=Bn)
    combined = jnp.concatenate([tgt, weighted], axis=-1)
    h1 = jax.nn.relu(combined @ fc_W1 + fc_b1)
    h2 = jax.nn.relu(h1 @ fc_W2 + fc_b2)
    out = jax.nn.sigmoid(h2 @ fc_W3 + fc_b3)
    return out

if __name__ == "__main__":
    import jax
    _d = setup_inputs()
    print(jax.jit(kernel)(*tuple(_d.values())))

</pallas_src>

<mosaic_0001>
#map = affine_map<(d0, d1) -> (0)>
#map1 = affine_map<(d0, d1) -> (0, 0)>
module attributes {stable_mosaic.version = 14 : i64} {
  func.func @body(%arg0: i32, %arg1: i32, %arg2: memref<1638400xi32, #tpu.memory_space<hbm>>, %arg3: memref<16384xi32, #tpu.memory_space<hbm>>, %arg4: memref<1000000x32xbf16, #tpu.memory_space<hbm>>, %arg5: memref<1638400x32xbf16, #tpu.memory_space<hbm>>, %arg6: memref<16384x32xbf16, #tpu.memory_space<hbm>>, %arg7: memref<1024xi32, #tpu.memory_space<vmem>>, %arg8: memref<1024xi32, #tpu.memory_space<vmem>>, %arg9: memref<1024x32xbf16, #tpu.memory_space<vmem>>, %arg10: memref<1024x32xbf16, #tpu.memory_space<vmem>>, %arg11: memref<!tpu.dma_semaphore, #tpu.memory_space<semaphore_mem>>, %arg12: memref<!tpu.dma_semaphore, #tpu.memory_space<semaphore_mem>>, %arg13: memref<!tpu.dma_semaphore, #tpu.memory_space<semaphore_mem>>, %arg14: memref<!tpu.dma_semaphore, #tpu.memory_space<semaphore_mem>>) attributes {dimension_semantics = [#tpu.dimension_semantics<core_parallel>, #tpu.dimension_semantics<subcore_parallel>], iteration_bounds = array<i64: 2, 16>, scalar_prefetch = 0 : i64, scratch_operands = 8 : i64, tpu.core_type = #tpu.core_type<sc_vector_subcore>, window_params = [{transform_indices = #map}, {transform_indices = #map}, {transform_indices = #map1}, {transform_indices = #map1}, {transform_indices = #map1}]} {
    %mul3A = arith.constant 2 : i32
    %mul3A_0 = arith.muli %arg1, %mul3A : i32
    %add3A = arith.addi %mul3A_0, %arg0 : i32
    %mul3A_1 = arith.constant 51200 : i32
    %mul3A_2 = arith.muli %add3A, %mul3A_1 : i32
    %add3A_3 = arith.constant 0 : i32
    %add3A_4 = arith.addi %mul3A_2, %add3A_3 : i32
    "tpu.region"() ({
      %run_scoped3A = tpu.sem_alloc : memref<!tpu.dma_semaphore, #tpu.memory_space<semaphore_mem>>
      %dma_start3A_124 = tpu.memref_slice %arg2[%add3A_4] : memref<1638400xi32, #tpu.memory_space<hbm>> -> memref<1024xi32, #tpu.memory_space<hbm>>
      %dma_start3A_125 = tpu.memref_slice %arg2[%add3A_4] : memref<1638400xi32, #tpu.memory_space<hbm>> -> memref<1024xi32, #tpu.memory_space<hbm>>
      tpu.enqueue_dma source(%dma_start3A_125 : memref<1024xi32, #tpu.memory_space<hbm>>) target(%arg7 : memref<1024xi32, #tpu.memory_space<vmem>>) target_semaphore(%run_scoped3A : memref<!tpu.dma_semaphore, #tpu.memory_space<semaphore_mem>>)
      %dma_wait3A_126 = tpu.memref_slice %arg2[%add3A_4] : memref<1638400xi32, #tpu.memory_space<hbm>> -> memref<1024xi32, #tpu.memory_space<hbm>>
      %dma_wait3A_127 = tpu.memref_slice %arg2[%add3A_4] : memref<1638400xi32, #tpu.memory_space<hbm>> -> memref<1024xi32, #tpu.memory_space<hbm>>
      tpu.wait_dma2 semaphore(%run_scoped3A : memref<!tpu.dma_semaphore, #tpu.memory_space<semaphore_mem>>) src(%dma_wait3A_127 : memref<1024xi32, #tpu.memory_space<hbm>>) dst(%arg7 : memref<1024xi32, #tpu.memory_space<vmem>>)
      tpu.yield
    }) : () -> ()
    %dma_start3A = arith.constant 0 : i32
    %dma_start3A_5 = arith.constant 0 : i32
    %dma_start3A_6 = tpu.memref_slice %arg9[%dma_start3A, %dma_start3A_5] : memref<1024x32xbf16, #tpu.memory_space<vmem>> -> memref<128x32xbf16, #tpu.memory_space<vmem>>
    %dma_start3A_7 = arith.constant 0 : i32
    %dma_start3A_8 = tpu.memref_slice %arg7[%dma_start3A_7] : memref<1024xi32, #tpu.memory_space<vmem>> -> memref<128xi32, #tpu.memory_space<vmem>>
    %dma_start3A_9 = arith.constant 0 : i32
    %dma_start3A_10 = arith.constant 0 : i32
    %dma_start3A_11 = tpu.memref_slice %arg4[%dma_start3A_9, %dma_start3A_10] : memref<1000000x32xbf16, #tpu.memory_space<hbm>> -> memref<1000000x32xbf16, #tpu.memory_space<hbm>>
    tpu.enqueue_indirect_dma source(%dma_start3A_11 : memref<1000000x32xbf16, #tpu.memory_space<hbm>>) target(%dma_start3A_6 : memref<128x32xbf16, #tpu.memory_space<vmem>>) offsets(%dma_start3A_8 : memref<128xi32, #tpu.memory_space<vmem>>) semaphore(%arg11 : memref<!tpu.dma_semaphore, #tpu.memory_space<semaphore_mem>>)
    %dma_start3A_12 = arith.constant 128 : i32
    %dma_start3A_13 = arith.constant 0 : i32
    %dma_start3A_14 = tpu.memref_slice %arg9[%dma_start3A_12, %dma_start3A_13] : memref<1024x32xbf16, #tpu.memory_space<vmem>> -> memref<128x32xbf16, #tpu.memory_space<vmem>>
    %dma_start3A_15 = arith.constant 128 : i32
    %dma_start3A_16 = tpu.memref_slice %arg7[%dma_start3A_15] : memref<1024xi32, #tpu.memory_space<vmem>> -> memref<128xi32, #tpu.memory_space<vmem>>
    %dma_start3A_17 = arith.constant 0 : i32
    %dma_start3A_18 = arith.constant 0 : i32
    %dma_start3A_19 = tpu.memref_slice %arg4[%dma_start3A_17, %dma_start3A_18] : memref<1000000x32xbf16, #tpu.memory_space<hbm>> -> memref<1000000x32xbf16, #tpu.memory_space<hbm>>
    tpu.enqueue_indirect_dma source(%dma_start3A_19 : memref<1000000x32xbf16, #tpu.memory_space<hbm>>) target(%dma_start3A_14 : memref<128x32xbf16, #tpu.memory_space<vmem>>) offsets(%dma_start3A_16 : memref<128xi32, #tpu.memory_space<vmem>>) semaphore(%arg11 : memref<!tpu.dma_semaphore, #tpu.memory_space<semaphore_mem>>)
    %dma_start3A_20 = arith.constant 256 : i32
    %dma_start3A_21 = arith.constant 0 : i32
    %dma_start3A_22 = tpu.memref_slice %arg9[%dma_start3A_20, %dma_start3A_21] : memref<1024x32xbf16, #tpu.memory_space<vmem>> -> memref<128x32xbf16, #tpu.memory_space<vmem>>
    %dma_start3A_23 = arith.constant 256 : i32
    %dma_start3A_24 = tpu.memref_slice %arg7[%dma_start3A_23] : memref<1024xi32, #tpu.memory_space<vmem>> -> memref<128xi32, #tpu.memory_space<vmem>>
    %dma_start3A_25 = arith.constant 0 : i32
    %dma_start3A_26 = arith.constant 0 : i32
    %dma_start3A_27 = tpu.memref_slice %arg4[%dma_start3A_25, %dma_start3A_26] : memref<1000000x32xbf16, #tpu.memory_space<hbm>> -> memref<1000000x32xbf16, #tpu.memory_space<hbm>>
    tpu.enqueue_indirect_dma source(%dma_start3A_27 : memref<1000000x32xbf16, #tpu.memory_space<hbm>>) target(%dma_start3A_22 : memref<128x32xbf16, #tpu.memory_space<vmem>>) offsets(%dma_start3A_24 : memref<128xi32, #tpu.memory_space<vmem>>) semaphore(%arg11 : memref<!tpu.dma_semaphore, #tpu.memory_space<semaphore_mem>>)
    %dma_start3A_28 = arith.constant 384 : i32
    %dma_start3A_29 = arith.constant 0 : i32
    %dma_start3A_30 = tpu.memref_slice %arg9[%dma_start3A_28, %dma_start3A_29] : memref<1024x32xbf16, #tpu.memory_space<vmem>> -> memref<128x32xbf16, #tpu.memory_space<vmem>>
    %dma_start3A_31 = arith.constant 384 : i32
    %dma_start3A_32 = tpu.memref_slice %arg7[%dma_start3A_31] : memref<1024xi32, #tpu.memory_space<vmem>> -> memref<128xi32, #tpu.memory_space<vmem>>
    %dma_start3A_33 = arith.constant 0 : i32
    %dma_start3A_34 = arith.constant 0 : i32
    %dma_start3A_35 = tpu.memref_slice %arg4[%dma_start3A_33, %dma_start3A_34] : memref<1000000x32xbf16, #tpu.memory_space<hbm>> -> memref<1000000x32xbf16, #tpu.memory_space<hbm>>
    tpu.enqueue_indirect_dma source(%dma_start3A_35 : memref<1000000x32xbf16, #tpu.memory_space<hbm>>) target(%dma_start3A_30 : memref<128x32xbf16, #tpu.memory_space<vmem>>) offsets(%dma_start3A_32 : memref<128xi32, #tpu.memory_space<vmem>>) semaphore(%arg11 : memref<!tpu.dma_semaphore, #tpu.memory_space<semaphore_mem>>)
    %dma_start3A_36 = arith.constant 512 : i32
    %dma_start3A_37 = arith.constant 0 : i32
    %dma_start3A_38 = tpu.memref_slice %arg9[%dma_start3A_36, %dma_start3A_37] : memref<1024x32xbf16, #tpu.memory_space<vmem>> -> memref<128x32xbf16, #tpu.memory_space<vmem>>
    %dma_start3A_39 = arith.constant 512 : i32
    %dma_start3A_40 = tpu.memref_slice %arg7[%dma_start3A_39] : memref<1024xi32, #tpu.memory_space<vmem>> -> memref<128xi32, #tpu.memory_space<vmem>>
    %dma_start3A_41 = arith.constant 0 : i32
    %dma_start3A_42 = arith.constant 0 : i32
    %dma_start3A_43 = tpu.memref_slice %arg4[%dma_start3A_41, %dma_start3A_42] : memref<1000000x32xbf16, #tpu.memory_space<hbm>> -> memref<1000000x32xbf16, #tpu.memory_space<hbm>>
    tpu.enqueue_indirect_dma source(%dma_start3A_43 : memref<1000000x32xbf16, #tpu.memory_space<hbm>>) target(%dma_start3A_38 : memref<128x32xbf16, #tpu.memory_space<vmem>>) offsets(%dma_start3A_40 : memref<128xi32, #tpu.memory_space<vmem>>) semaphore(%arg11 : memref<!tpu.dma_semaphore, #tpu.memory_space<semaphore_mem>>)
    %dma_start3A_44 = arith.constant 640 : i32
    %dma_start3A_45 = arith.constant 0 : i32
    %dma_start3A_46 = tpu.memref_slice %arg9[%dma_start3A_44, %dma_start3A_45] : memref<1024x32xbf16, #tpu.memory_space<vmem>> -> memref<128x32xbf16, #tpu.memory_space<vmem>>
    %dma_start3A_47 = arith.constant 640 : i32
    %dma_start3A_48 = tpu.memref_slice %arg7[%dma_start3A_47] : memref<1024xi32, #tpu.memory_space<vmem>> -> memref<128xi32, #tpu.memory_space<vmem>>
    %dma_start3A_49 = arith.constant 0 : i32
    %dma_start3A_50 = arith.constant 0 : i32
    %dma_start3A_51 = tpu.memref_slice %arg4[%dma_start3A_49, %dma_start3A_50] : memref<1000000x32xbf16, #tpu.memory_space<hbm>> -> memref<1000000x32xbf16, #tpu.memory_space<hbm>>
    tpu.enqueue_indirect_dma source(%dma_start3A_51 : memref<1000000x32xbf16, #tpu.memory_space<hbm>>) target(%dma_start3A_46 : memref<128x32xbf16, #tpu.memory_space<vmem>>) offsets(%dma_start3A_48 : memref<128xi32, #tpu.memory_space<vmem>>) semaphore(%arg11 : memref<!tpu.dma_semaphore, #tpu.memory_space<semaphore_mem>>)
    %dma_start3A_52 = arith.constant 768 : i32
    %dma_start3A_53 = arith.constant 0 : i32
    %dma_start3A_54 = tpu.memref_slice %arg9[%dma_start3A_52, %dma_start3A_53] : memref<1024x32xbf16, #tpu.memory_space<vmem>> -> memref<128x32xbf16, #tpu.memory_space<vmem>>
    %dma_start3A_55 = arith.constant 768 : i32
    %dma_start3A_56 = tpu.memref_slice %arg7[%dma_start3A_55] : memref<1024xi32, #tpu.memory_space<vmem>> -> memref<128xi32, #tpu.memory_space<vmem>>
    %dma_start3A_57 = arith.constant 0 : i32
    %dma_start3A_58 = arith.constant 0 : i32
    %dma_start3A_59 = tpu.memref_slice %arg4[%dma_start3A_57, %dma_start3A_58] : memref<1000000x32xbf16, #tpu.memory_space<hbm>> -> memref<1000000x32xbf16, #tpu.memory_space<hbm>>
    tpu.enqueue_indirect_dma source(%dma_start3A_59 : memref<1000000x32xbf16, #tpu.memory_space<hbm>>) target(%dma_start3A_54 : memref<128x32xbf16, #tpu.memory_space<vmem>>) offsets(%dma_start3A_56 : memref<128xi32, #tpu.memory_space<vmem>>) semaphore(%arg11 : memref<!tpu.dma_semaphore, #tpu.memory_space<semaphore_mem>>)
    %dma_start3A_60 = arith.constant 896 : i32
    %dma_start3A_61 = arith.constant 0 : i32
    %dma_start3A_62 = tpu.memref_slice %arg9[%dma_start3A_60, %dma_start3A_61] : memref<1024x32xbf16, #tpu.memory_space<vmem>> -> memref<128x32xbf16, #tpu.memory_space<vmem>>
    %dma_start3A_63 = arith.constant 896 : i32
    %dma_start3A_64 = tpu.memref_slice %arg7[%dma_start3A_63] : memref<1024xi32, #tpu.memory_space<vmem>> -> memref<128xi32, #tpu.memory_space<vmem>>
    %dma_start3A_65 = arith.constant 0 : i32
    %dma_start3A_66 = arith.constant 0 : i32
    %dma_start3A_67 = tpu.memref_slice %arg4[%dma_start3A_65, %dma_start3A_66] : memref<1000000x32xbf16, #tpu.memory_space<hbm>> -> memref<1000000x32xbf16, #tpu.memory_space<hbm>>
    tpu.enqueue_indirect_dma source(%dma_start3A_67 : memref<1000000x32xbf16, #tpu.memory_space<hbm>>) target(%dma_start3A_62 : memref<128x32xbf16, #tpu.memory_space<vmem>>) offsets(%dma_start3A_64 : memref<128xi32, #tpu.memory_space<vmem>>) semaphore(%arg11 : memref<!tpu.dma_semaphore, #tpu.memory_space<semaphore_mem>>)
    %scan3A = arith.constant 0 : i32
    %scan3A_68 = arith.constant 0 : i32
    %scan3A_69 = arith.constant 25 : i32
    %scan3A_70 = arith.addi %scan3A_68, %scan3A_69 : i32
    %scan3A_71 = arith.constant 1 : i32
    scf.for %scan3A_124 = %scan3A_68 to %scan3A_70 step %scan3A_71  : i32 {
      %mul3A_125 = arith.constant 2 : i32
      %mul3A_126 = arith.muli %mul3A_125, %scan3A_124 : i32
      %add3A_127 = arith.constant 0 : i32
      %add3A_128 = arith.addi %mul3A_126, %add3A_127 : i32
      %dma_wait3A_129 = arith.constant 0 : i32
      %dma_wait3A_130 = arith.constant 0 : i32
      %dma_wait3A_131 = tpu.memref_slice %arg5[%dma_wait3A_129, %dma_wait3A_130] : memref<1638400x32xbf16, #tpu.memory_space<hbm>> -> memref<1024x32xbf16, #tpu.memory_space<hbm>>
      %dma_wait3A_132 = arith.constant 0 : i32
      %dma_wait3A_133 = arith.constant 0 : i32
      %dma_wait3A_134 = tpu.memref_slice %arg5[%dma_wait3A_132, %dma_wait3A_133] : memref<1638400x32xbf16, #tpu.memory_space<hbm>> -> memref<1024x32xbf16, #tpu.memory_space<hbm>>
      tpu.wait_dma2 semaphore(%arg11 : memref<!tpu.dma_semaphore, #tpu.memory_space<semaphore_mem>>) src(%dma_wait3A_134 : memref<1024x32xbf16, #tpu.memory_space<hbm>>) dst(%arg9 : memref<1024x32xbf16, #tpu.memory_space<vmem>>)
      %gt3A = arith.constant 0 : i32
      %gt3A_135 = arith.cmpi sgt, %add3A_128, %gt3A : i32
      %convert_element_type3A = arith.extui %gt3A_135 : i1 to i32
      %cond3A = arith.constant 0 : i32
      %cond3A_136 = arith.cmpi ne, %convert_element_type3A, %cond3A : i32
      scf.if %cond3A_136 {
        %dma_wait3A_179 = arith.constant 0 : i32
        %dma_wait3A_180 = arith.constant 0 : i32
        %dma_wait3A_181 = tpu.memref_slice %arg5[%dma_wait3A_179, %dma_wait3A_180] : memref<1638400x32xbf16, #tpu.memory_space<hbm>> -> memref<1024x32xbf16, #tpu.memory_space<hbm>>
        %dma_wait3A_182 = arith.constant 0 : i32
        %dma_wait3A_183 = arith.constant 0 : i32
        %dma_wait3A_184 = tpu.memref_slice %arg5[%dma_wait3A_182, %dma_wait3A_183] : memref<1638400x32xbf16, #tpu.memory_space<hbm>> -> memref<1024x32xbf16, #tpu.memory_space<hbm>>
        tpu.wait_dma2 semaphore(%arg14 : memref<!tpu.dma_semaphore, #tpu.memory_space<semaphore_mem>>) src(%arg10 : memref<1024x32xbf16, #tpu.memory_space<vmem>>) dst(%dma_wait3A_184 : memref<1024x32xbf16, #tpu.memory_space<hbm>>)
      } else {
      }
      %add3A_137 = arith.constant 1 : i32
      %add3A_138 = arith.addi %add3A_128, %add3A_137 : i32
      %lt3A = arith.constant 50 : i32
      %lt3A_139 = arith.cmpi slt, %add3A_138, %lt3A : i32
      %convert_element_type3A_140 = arith.extui %lt3A_139 : i1 to i32
      %cond3A_141 = arith.constant 0 : i32
      %cond3A_142 = arith.cmpi ne, %convert_element_type3A_140, %cond3A_141 : i32
      scf.if %cond3A_142 {
        %add3A_179 = arith.constant 1 : i32
        %add3A_180 = arith.addi %add3A_128, %add3A_179 : i32
        %mul3A_181 = arith.constant 1024 : i32
        %mul3A_182 = arith.muli %add3A_180, %mul3A_181 : i32
        %add3A_183 = arith.addi %mul3A_2, %mul3A_182 : i32
        "tpu.region"() ({
          %run_scoped3A = tpu.sem_alloc : memref<!tpu.dma_semaphore, #tpu.memory_space<semaphore_mem>>
          %dma_start3A_248 = tpu.memref_slice %arg2[%add3A_183] : memref<1638400xi32, #tpu.memory_space<hbm>> -> memref<1024xi32, #tpu.memory_space<hbm>>
          %dma_start3A_249 = tpu.memref_slice %arg2[%add3A_183] : memref<1638400xi32, #tpu.memory_space<hbm>> -> memref<1024xi32, #tpu.memory_space<hbm>>
          tpu.enqueue_dma source(%dma_start3A_249 : memref<1024xi32, #tpu.memory_space<hbm>>) target(%arg8 : memref<1024xi32, #tpu.memory_space<vmem>>) target_semaphore(%run_scoped3A : memref<!tpu.dma_semaphore, #tpu.memory_space<semaphore_mem>>)
          %dma_wait3A_250 = tpu.memref_slice %arg2[%add3A_183] : memref<1638400xi32, #tpu.memory_space<hbm>> -> memref<1024xi32, #tpu.memory_space<hbm>>
          %dma_wait3A_251 = tpu.memref_slice %arg2[%add3A_183] : memref<1638400xi32, #tpu.memory_space<hbm>> -> memref<1024xi32, #tpu.memory_space<hbm>>
          tpu.wait_dma2 semaphore(%run_scoped3A : memref<!tpu.dma_semaphore, #tpu.memory_space<semaphore_mem>>) src(%dma_wait3A_251 : memref<1024xi32, #tpu.memory_space<hbm>>) dst(%arg8 : memref<1024xi32, #tpu.memory_space<vmem>>)
          tpu.yield
        }) : () -> ()
        %dma_start3A_184 = arith.constant 0 : i32
        %dma_start3A_185 = arith.constant 0 : i32
        %dma_start3A_186 = tpu.memref_slice %arg10[%dma_start3A_184, %dma_start3A_185] : memref<1024x32xbf16, #tpu.memory_space<vmem>> -> memref<128x32xbf16, #tpu.memory_space<vmem>>
        %dma_start3A_187 = arith.constant 0 : i32
        %dma_start3A_188 = tpu.memref_slice %arg8[%dma_start3A_187] : memref<1024xi32, #tpu.memory_space<vmem>> -> memref<128xi32, #tpu.memory_space<vmem>>
        %dma_start3A_189 = arith.constant 0 : i32
        %dma_start3A_190 = arith.constant 0 : i32
        %dma_start3A_191 = tpu.memref_slice %arg4[%dma_start3A_189, %dma_start3A_190] : memref<1000000x32xbf16, #tpu.memory_space<hbm>> -> memref<1000000x32xbf16, #tpu.memory_space<hbm>>
        tpu.enqueue_indirect_dma source(%dma_start3A_191 : memref<1000000x32xbf16, #tpu.memory_space<hbm>>) target(%dma_start3A_186 : memref<128x32xbf16, #tpu.memory_space<vmem>>) offsets(%dma_start3A_188 : memref<128xi32, #tpu.memory_space<vmem>>) semaphore(%arg12 : memref<!tpu.dma_semaphore, #tpu.memory_space<semaphore_mem>>)
        %dma_start3A_192 = arith.constant 128 : i32
        %dma_start3A_193 = arith.constant 0 : i32
        %dma_start3A_194 = tpu.memref_slice %arg10[%dma_start3A_192, %dma_start3A_193] : memref<1024x32xbf16, #tpu.memory_space<vmem>> -> memref<128x32xbf16, #tpu.memory_space<vmem>>
        %dma_start3A_195 = arith.constant 128 : i32
        %dma_start3A_196 = tpu.memref_slice %arg8[%dma_start3A_195] : memref<1024xi32, #tpu.memory_space<vmem>> -> memref<128xi32, #tpu.memory_space<vmem>>
        %dma_start3A_197 = arith.constant 0 : i32
        %dma_start3A_198 = arith.constant 0 : i32
        %dma_start3A_199 = tpu.memref_slice %arg4[%dma_start3A_197, %dma_start3A_198] : memref<1000000x32xbf16, #tpu.memory_space<hbm>> -> memref<1000000x32xbf16, #tpu.memory_space<hbm>>
        tpu.enqueue_indirect_dma source(%dma_start3A_199 : memref<1000000x32xbf16, #tpu.memory_space<hbm>>) target(%dma_start3A_194 : memref<128x32xbf16, #tpu.memory_space<vmem>>) offsets(%dma_start3A_196 : memref<128xi32, #tpu.memory_space<vmem>>) semaphore(%arg12 : memref<!tpu.dma_semaphore, #tpu.memory_space<semaphore_mem>>)
        %dma_start3A_200 = arith.constant 256 : i32
        %dma_start3A_201 = arith.constant 0 : i32
        %dma_start3A_202 = tpu.memref_slice %arg10[%dma_start3A_200, %dma_start3A_201] : memref<1024x32xbf16, #tpu.memory_space<vmem>> -> memref<128x32xbf16, #tpu.memory_space<vmem>>
        %dma_start3A_203 = arith.constant 256 : i32
        %dma_start3A_204 = tpu.memref_slice %arg8[%dma_start3A_203] : memref<1024xi32, #tpu.memory_space<vmem>> -> memref<128xi32, #tpu.memory_space<vmem>>
        %dma_start3A_205 = arith.constant 0 : i32
        %dma_start3A_206 = arith.constant 0 : i32
        %dma_start3A_207 = tpu.memref_slice %arg4[%dma_start3A_205, %dma_start3A_206] : memref<1000000x32xbf16, #tpu.memory_space<hbm>> -> memref<1000000x32xbf16, #tpu.memory_space<hbm>>
        tpu.enqueue_indirect_dma source(%dma_start3A_207 : memref<1000000x32xbf16, #tpu.memory_space<hbm>>) target(%dma_start3A_202 : memref<128x32xbf16, #tpu.memory_space<vmem>>) offsets(%dma_start3A_204 : memref<128xi32, #tpu.memory_space<vmem>>) semaphore(%arg12 : memref<!tpu.dma_semaphore, #tpu.memory_space<semaphore_mem>>)
        %dma_start3A_208 = arith.constant 384 : i32
        %dma_start3A_209 = arith.constant 0 : i32
        %dma_start3A_210 = tpu.memref_slice %arg10[%dma_start3A_208, %dma_start3A_209] : memref<1024x32xbf16, #tpu.memory_space<vmem>> -> memref<128x32xbf16, #tpu.memory_space<vmem>>
        %dma_start3A_211 = arith.constant 384 : i32
        %dma_start3A_212 = tpu.memref_slice %arg8[%dma_start3A_211] : memref<1024xi32, #tpu.memory_space<vmem>> -> memref<128xi32, #tpu.memory_space<vmem>>
        %dma_start3A_213 = arith.constant 0 : i32
        %dma_start3A_214 = arith.constant 0 : i32
        %dma_start3A_215 = tpu.memref_slice %arg4[%dma_start3A_213, %dma_start3A_214] : memref<1000000x32xbf16, #tpu.memory_space<hbm>> -> memref<1000000x32xbf16, #tpu.memory_space<hbm>>
        tpu.enqueue_indirect_dma source(%dma_start3A_215 : memref<1000000x32xbf16, #tpu.memory_space<hbm>>) target(%dma_start3A_210 : memref<128x32xbf16, #tpu.memory_space<vmem>>) offsets(%dma_start3A_212 : memref<128xi32, #tpu.memory_space<vmem>>) semaphore(%arg12 : memref<!tpu.dma_semaphore, #tpu.memory_space<semaphore_mem>>)
        %dma_start3A_216 = arith.constant 512 : i32
        %dma_start3A_217 = arith.constant 0 : i32
        %dma_start3A_218 = tpu.memref_slice %arg10[%dma_start3A_216, %dma_start3A_217] : memref<1024x32xbf16, #tpu.memory_space<vmem>> -> memref<128x32xbf16, #tpu.memory_space<vmem>>
        %dma_start3A_219 = arith.constant 512 : i32
        %dma_start3A_220 = tpu.memref_slice %arg8[%dma_start3A_219] : memref<1024xi32, #tpu.memory_space<vmem>> -> memref<128xi32, #tpu.memory_space<vmem>>
        %dma_start3A_221 = arith.constant 0 : i32
        %dma_start3A_222 = arith.constant 0 : i32
        %dma_start3A_223 = tpu.memref_slice %arg4[%dma_start3A_221, %dma_start3A_222] : memref<1000000x32xbf16, #tpu.memory_space<hbm>> -> memref<1000000x32xbf16, #tpu.memory_space<hbm>>
        tpu.enqueue_indirect_dma source(%dma_start3A_223 : memref<1000000x32xbf16, #tpu.memory_space<hbm>>) target(%dma_start3A_218 : memref<128x32xbf16, #tpu.memory_space<vmem>>) offsets(%dma_start3A_220 : memref<128xi32, #tpu.memory_space<vmem>>) semaphore(%arg12 : memref<!tpu.dma_semaphore, #tpu.memory_space<semaphore_mem>>)
        %dma_start3A_224 = arith.constant 640 : i32
        %dma_start3A_225 = arith.constant 0 : i32
        %dma_start3A_226 = tpu.memref_slice %arg10[%dma_start3A_224, %dma_start3A_225] : memref<1024x32xbf16, #tpu.memory_space<vmem>> -> memref<128x32xbf16, #tpu.memory_space<vmem>>
        %dma_start3A_227 = arith.constant 640 : i32
        %dma_start3A_228 = tpu.memref_slice %arg8[%dma_start3A_227] : memref<1024xi32, #tpu.memory_space<vmem>> -> memref<128xi32, #tpu.memory_space<vmem>>
        %dma_start3A_229 = arith.constant 0 : i32
        %dma_start3A_230 = arith.constant 0 : i32
        %dma_start3A_231 = tpu.memref_slice %arg4[%dma_start3A_229, %dma_start3A_230] : memref<1000000x32xbf16, #tpu.memory_space<hbm>> -> memref<1000000x32xbf16, #tpu.memory_space<hbm>>
        tpu.enqueue_indirect_dma source(%dma_start3A_231 : memref<1000000x32xbf16, #tpu.memory_space<hbm>>) target(%dma_start3A_226 : memref<128x32xbf16, #tpu.memory_space<vmem>>) offsets(%dma_start3A_228 : memref<128xi32, #tpu.memory_space<vmem>>) semaphore(%arg12 : memref<!tpu.dma_semaphore, #tpu.memory_space<semaphore_mem>>)
        %dma_start3A_232 = arith.constant 768 : i32
        %dma_start3A_233 = arith.constant 0 : i32
        %dma_start3A_234 = tpu.memref_slice %arg10[%dma_start3A_232, %dma_start3A_233] : memref<1024x32xbf16, #tpu.memory_space<vmem>> -> memref<128x32xbf16, #tpu.memory_space<vmem>>
        %dma_start3A_235 = arith.constant 768 : i32
        %dma_start3A_236 = tpu.memref_slice %arg8[%dma_start3A_235] : memref<1024xi32, #tpu.memory_space<vmem>> -> memref<128xi32, #tpu.memory_space<vmem>>
        %dma_start3A_237 = arith.constant 0 : i32
        %dma_start3A_238 = arith.constant 0 : i32
        %dma_start3A_239 = tpu.memref_slice %arg4[%dma_start3A_237, %dma_start3A_238] : memref<1000000x32xbf16, #tpu.memory_space<hbm>> -> memref<1000000x32xbf16, #tpu.memory_space<hbm>>
        tpu.enqueue_indirect_dma source(%dma_start3A_239 : memref<1000000x32xbf16, #tpu.memory_space<hbm>>) target(%dma_start3A_234 : memref<128x32xbf16, #tpu.memory_space<vmem>>) offsets(%dma_start3A_236 : memref<128xi32, #tpu.memory_space<vmem>>) semaphore(%arg12 : memref<!tpu.dma_semaphore, #tpu.memory_space<semaphore_mem>>)
        %dma_start3A_240 = arith.constant 896 : i32
        %dma_start3A_241 = arith.constant 0 : i32
        %dma_start3A_242 = tpu.memref_slice %arg10[%dma_start3A_240, %dma_start3A_241] : memref<1024x32xbf16, #tpu.memory_space<vmem>> -> memref<128x32xbf16, #tpu.memory_space<vmem>>
        %dma_start3A_243 = arith.constant 896 : i32
        %dma_start3A_244 = tpu.memref_slice %arg8[%dma_start3A_243] : memref<1024xi32, #tpu.memory_space<vmem>> -> memref<128xi32, #tpu.memory_space<vmem>>
        %dma_start3A_245 = arith.constant 0 : i32
        %dma_start3A_246 = arith.constant 0 : i32
        %dma_start3A_247 = tpu.memref_slice %arg4[%dma_start3A_245, %dma_start3A_246] : memref<1000000x32xbf16, #tpu.memory_space<hbm>> -> memref<1000000x32xbf16, #tpu.memory_space<hbm>>
        tpu.enqueue_indirect_dma source(%dma_start3A_247 : memref<1000000x32xbf16, #tpu.memory_space<hbm>>) target(%dma_start3A_242 : memref<128x32xbf16, #tpu.memory_space<vmem>>) offsets(%dma_start3A_244 : memref<128xi32, #tpu.memory_space<vmem>>) semaphore(%arg12 : memref<!tpu.dma_semaphore, #tpu.memory_space<semaphore_mem>>)
      } else {
      }
      %mul3A_143 = arith.constant 1024 : i32
      %mul3A_144 = arith.muli %add3A_128, %mul3A_143 : i32
      %add3A_145 = arith.addi %mul3A_2, %mul3A_144 : i32
      %dma_start3A_146 = arith.constant 0 : i32
      %dma_start3A_147 = tpu.memref_slice %arg5[%add3A_145, %dma_start3A_146] : memref<1638400x32xbf16, #tpu.memory_space<hbm>> -> memref<1024x32xbf16, #tpu.memory_space<hbm>>
      %dma_start3A_148 = arith.constant 0 : i32
      %dma_start3A_149 = tpu.memref_slice %arg5[%add3A_145, %dma_start3A_148] : memref<1638400x32xbf16, #tpu.memory_space<hbm>> -> memref<1024x32xbf16, #tpu.memory_space<hbm>>
      tpu.enqueue_dma source(%arg9 : memref<1024x32xbf16, #tpu.memory_space<vmem>>) target(%dma_start3A_149 : memref<1024x32xbf16, #tpu.memory_space<hbm>>) target_semaphore(%arg13 : memref<!tpu.dma_semaphore, #tpu.memory_space<semaphore_mem>>)
      %mul3A_150 = arith.constant 2 : i32
      %mul3A_151 = arith.muli %mul3A_150, %scan3A_124 : i32
      %add3A_152 = arith.constant 1 : i32
      %add3A_153 = arith.addi %mul3A_151, %add3A_152 : i32
      %dma_wait3A_154 = arith.constant 0 : i32
      %dma_wait3A_155 = arith.constant 0 : i32
      %dma_wait3A_156 = tpu.memref_slice %arg5[%dma_wait3A_154, %dma_wait3A_155] : memref<1638400x32xbf16, #tpu.memory_space<hbm>> -> memref<1024x32xbf16, #tpu.memory_space<hbm>>
      %dma_wait3A_157 = arith.constant 0 : i32
      %dma_wait3A_158 = arith.constant 0 : i32
      %dma_wait3A_159 = tpu.memref_slice %arg5[%dma_wait3A_157, %dma_wait3A_158] : memref<1638400x32xbf16, #tpu.memory_space<hbm>> -> memref<1024x32xbf16, #tpu.memory_space<hbm>>
      tpu.wait_dma2 semaphore(%arg12 : memref<!tpu.dma_semaphore, #tpu.memory_space<semaphore_mem>>) src(%dma_wait3A_159 : memref<1024x32xbf16, #tpu.memory_space<hbm>>) dst(%arg10 : memref<1024x32xbf16, #tpu.memory_space<vmem>>)
      %gt3A_160 = arith.constant 0 : i32
      %gt3A_161 = arith.cmpi sgt, %add3A_153, %gt3A_160 : i32
      %convert_element_type3A_162 = arith.extui %gt3A_161 : i1 to i32
      %cond3A_163 = arith.constant 0 : i32
      %cond3A_164 = arith.cmpi ne, %convert_element_type3A_162, %cond3A_163 : i32
      scf.if %cond3A_164 {
        %dma_wait3A_179 = arith.constant 0 : i32
        %dma_wait3A_180 = arith.constant 0 : i32
        %dma_wait3A_181 = tpu.memref_slice %arg5[%dma_wait3A_179, %dma_wait3A_180] : memref<1638400x32xbf16, #tpu.memory_space<hbm>> -> memref<1024x32xbf16, #tpu.memory_space<hbm>>
        %dma_wait3A_182 = arith.constant 0 : i32
        %dma_wait3A_183 = arith.constant 0 : i32
        %dma_wait3A_184 = tpu.memref_slice %arg5[%dma_wait3A_182, %dma_wait3A_183] : memref<1638400x32xbf16, #tpu.memory_space<hbm>> -> memref<1024x32xbf16, #tpu.memory_space<hbm>>
        tpu.wait_dma2 semaphore(%arg13 : memref<!tpu.dma_semaphore, #tpu.memory_space<semaphore_mem>>) src(%arg9 : memref<1024x32xbf16, #tpu.memory_space<vmem>>) dst(%dma_wait3A_184 : memref<1024x32xbf16, #tpu.memory_space<hbm>>)
      } else {
      }
      %add3A_165 = arith.constant 1 : i32
      %add3A_166 = arith.addi %add3A_153, %add3A_165 : i32
      %lt3A_167 = arith.constant 50 : i32
      %lt3A_168 = arith.cmpi slt, %add3A_166, %lt3A_167 : i32
      %convert_element_type3A_169 = arith.extui %lt3A_168 : i1 to i32
      %cond3A_170 = arith.constant 0 : i32
      %cond3A_171 = arith.cmpi ne, %convert_element_type3A_169, %cond3A_170 : i32
      scf.if %cond3A_171 {
        %add3A_179 = arith.constant 1 : i32
        %add3A_180 = arith.addi %add3A_153, %add3A_179 : i32
        %mul3A_181 = arith.constant 1024 : i32
        %mul3A_182 = arith.muli %add3A_180, %mul3A_181 : i32
        %add3A_183 = arith.addi %mul3A_2, %mul3A_182 : i32
        "tpu.region"() ({
          %run_scoped3A = tpu.sem_alloc : memref<!tpu.dma_semaphore, #tpu.memory_space<semaphore_mem>>
          %dma_start3A_248 = tpu.memref_slice %arg2[%add3A_183] : memref<1638400xi32, #tpu.memory_space<hbm>> -> memref<1024xi32, #tpu.memory_space<hbm>>
          %dma_start3A_249 = tpu.memref_slice %arg2[%add3A_183] : memref<1638400xi32, #tpu.memory_space<hbm>> -> memref<1024xi32, #tpu.memory_space<hbm>>
          tpu.enqueue_dma source(%dma_start3A_249 : memref<1024xi32, #tpu.memory_space<hbm>>) target(%arg7 : memref<1024xi32, #tpu.memory_space<vmem>>) target_semaphore(%run_scoped3A : memref<!tpu.dma_semaphore, #tpu.memory_space<semaphore_mem>>)
          %dma_wait3A_250 = tpu.memref_slice %arg2[%add3A_183] : memref<1638400xi32, #tpu.memory_space<hbm>> -> memref<1024xi32, #tpu.memory_space<hbm>>
          %dma_wait3A_251 = tpu.memref_slice %arg2[%add3A_183] : memref<1638400xi32, #tpu.memory_space<hbm>> -> memref<1024xi32, #tpu.memory_space<hbm>>
          tpu.wait_dma2 semaphore(%run_scoped3A : memref<!tpu.dma_semaphore, #tpu.memory_space<semaphore_mem>>) src(%dma_wait3A_251 : memref<1024xi32, #tpu.memory_space<hbm>>) dst(%arg7 : memref<1024xi32, #tpu.memory_space<vmem>>)
          tpu.yield
        }) : () -> ()
        %dma_start3A_184 = arith.constant 0 : i32
        %dma_start3A_185 = arith.constant 0 : i32
        %dma_start3A_186 = tpu.memref_slice %arg9[%dma_start3A_184, %dma_start3A_185] : memref<1024x32xbf16, #tpu.memory_space<vmem>> -> memref<128x32xbf16, #tpu.memory_space<vmem>>
        %dma_start3A_187 = arith.constant 0 : i32
        %dma_start3A_188 = tpu.memref_slice %arg7[%dma_start3A_187] : memref<1024xi32, #tpu.memory_space<vmem>> -> memref<128xi32, #tpu.memory_space<vmem>>
        %dma_start3A_189 = arith.constant 0 : i32
        %dma_start3A_190 = arith.constant 0 : i32
        %dma_start3A_191 = tpu.memref_slice %arg4[%dma_start3A_189, %dma_start3A_190] : memref<1000000x32xbf16, #tpu.memory_space<hbm>> -> memref<1000000x32xbf16, #tpu.memory_space<hbm>>
        tpu.enqueue_indirect_dma source(%dma_start3A_191 : memref<1000000x32xbf16, #tpu.memory_space<hbm>>) target(%dma_start3A_186 : memref<128x32xbf16, #tpu.memory_space<vmem>>) offsets(%dma_start3A_188 : memref<128xi32, #tpu.memory_space<vmem>>) semaphore(%arg11 : memref<!tpu.dma_semaphore, #tpu.memory_space<semaphore_mem>>)
        %dma_start3A_192 = arith.constant 128 : i32
        %dma_start3A_193 = arith.constant 0 : i32
        %dma_start3A_194 = tpu.memref_slice %arg9[%dma_start3A_192, %dma_start3A_193] : memref<1024x32xbf16, #tpu.memory_space<vmem>> -> memref<128x32xbf16, #tpu.memory_space<vmem>>
        %dma_start3A_195 = arith.constant 128 : i32
        %dma_start3A_196 = tpu.memref_slice %arg7[%dma_start3A_195] : memref<1024xi32, #tpu.memory_space<vmem>> -> memref<128xi32, #tpu.memory_space<vmem>>
        %dma_start3A_197 = arith.constant 0 : i32
        %dma_start3A_198 = arith.constant 0 : i32
        %dma_start3A_199 = tpu.memref_slice %arg4[%dma_start3A_197, %dma_start3A_198] : memref<1000000x32xbf16, #tpu.memory_space<hbm>> -> memref<1000000x32xbf16, #tpu.memory_space<hbm>>
        tpu.enqueue_indirect_dma source(%dma_start3A_199 : memref<1000000x32xbf16, #tpu.memory_space<hbm>>) target(%dma_start3A_194 : memref<128x32xbf16, #tpu.memory_space<vmem>>) offsets(%dma_start3A_196 : memref<128xi32, #tpu.memory_space<vmem>>) semaphore(%arg11 : memref<!tpu.dma_semaphore, #tpu.memory_space<semaphore_mem>>)
        %dma_start3A_200 = arith.constant 256 : i32
        %dma_start3A_201 = arith.constant 0 : i32
        %dma_start3A_202 = tpu.memref_slice %arg9[%dma_start3A_200, %dma_start3A_201] : memref<1024x32xbf16, #tpu.memory_space<vmem>> -> memref<128x32xbf16, #tpu.memory_space<vmem>>
        %dma_start3A_203 = arith.constant 256 : i32
        %dma_start3A_204 = tpu.memref_slice %arg7[%dma_start3A_203] : memref<1024xi32, #tpu.memory_space<vmem>> -> memref<128xi32, #tpu.memory_space<vmem>>
        %dma_start3A_205 = arith.constant 0 : i32
        %dma_start3A_206 = arith.constant 0 : i32
        %dma_start3A_207 = tpu.memref_slice %arg4[%dma_start3A_205, %dma_start3A_206] : memref<1000000x32xbf16, #tpu.memory_space<hbm>> -> memref<1000000x32xbf16, #tpu.memory_space<hbm>>
        tpu.enqueue_indirect_dma source(%dma_start3A_207 : memref<1000000x32xbf16, #tpu.memory_space<hbm>>) target(%dma_start3A_202 : memref<128x32xbf16, #tpu.memory_space<vmem>>) offsets(%dma_start3A_204 : memref<128xi32, #tpu.memory_space<vmem>>) semaphore(%arg11 : memref<!tpu.dma_semaphore, #tpu.memory_space<semaphore_mem>>)
        %dma_start3A_208 = arith.constant 384 : i32
        %dma_start3A_209 = arith.constant 0 : i32
        %dma_start3A_210 = tpu.memref_slice %arg9[%dma_start3A_208, %dma_start3A_209] : memref<1024x32xbf16, #tpu.memory_space<vmem>> -> memref<128x32xbf16, #tpu.memory_space<vmem>>
        %dma_start3A_211 = arith.constant 384 : i32
        %dma_start3A_212 = tpu.memref_slice %arg7[%dma_start3A_211] : memref<1024xi32, #tpu.memory_space<vmem>> -> memref<128xi32, #tpu.memory_space<vmem>>
        %dma_start3A_213 = arith.constant 0 : i32
        %dma_start3A_214 = arith.constant 0 : i32
        %dma_start3A_215 = tpu.memref_slice %arg4[%dma_start3A_213, %dma_start3A_214] : memref<1000000x32xbf16, #tpu.memory_space<hbm>> -> memref<1000000x32xbf16, #tpu.memory_space<hbm>>
        tpu.enqueue_indirect_dma source(%dma_start3A_215 : memref<1000000x32xbf16, #tpu.memory_space<hbm>>) target(%dma_start3A_210 : memref<128x32xbf16, #tpu.memory_space<vmem>>) offsets(%dma_start3A_212 : memref<128xi32, #tpu.memory_space<vmem>>) semaphore(%arg11 : memref<!tpu.dma_semaphore, #tpu.memory_space<semaphore_mem>>)
        %dma_start3A_216 = arith.constant 512 : i32
        %dma_start3A_217 = arith.constant 0 : i32
        %dma_start3A_218 = tpu.memref_slice %arg9[%dma_start3A_216, %dma_start3A_217] : memref<1024x32xbf16, #tpu.memory_space<vmem>> -> memref<128x32xbf16, #tpu.memory_space<vmem>>
        %dma_start3A_219 = arith.constant 512 : i32
        %dma_start3A_220 = tpu.memref_slice %arg7[%dma_start3A_219] : memref<1024xi32, #tpu.memory_space<vmem>> -> memref<128xi32, #tpu.memory_space<vmem>>
        %dma_start3A_221 = arith.constant 0 : i32
        %dma_start3A_222 = arith.constant 0 : i32
        %dma_start3A_223 = tpu.memref_slice %arg4[%dma_start3A_221, %dma_start3A_222] : memref<1000000x32xbf16, #tpu.memory_space<hbm>> -> memref<1000000x32xbf16, #tpu.memory_space<hbm>>
        tpu.enqueue_indirect_dma source(%dma_start3A_223 : memref<1000000x32xbf16, #tpu.memory_space<hbm>>) target(%dma_start3A_218 : memref<128x32xbf16, #tpu.memory_space<vmem>>) offsets(%dma_start3A_220 : memref<128xi32, #tpu.memory_space<vmem>>) semaphore(%arg11 : memref<!tpu.dma_semaphore, #tpu.memory_space<semaphore_mem>>)
        %dma_start3A_224 = arith.constant 640 : i32
        %dma_start3A_225 = arith.constant 0 : i32
        %dma_start3A_226 = tpu.memref_slice %arg9[%dma_start3A_224, %dma_start3A_225] : memref<1024x32xbf16, #tpu.memory_space<vmem>> -> memref<128x32xbf16, #tpu.memory_space<vmem>>
        %dma_start3A_227 = arith.constant 640 : i32
        %dma_start3A_228 = tpu.memref_slice %arg7[%dma_start3A_227] : memref<1024xi32, #tpu.memory_space<vmem>> -> memref<128xi32, #tpu.memory_space<vmem>>
        %dma_start3A_229 = arith.constant 0 : i32
        %dma_start3A_230 = arith.constant 0 : i32
        %dma_start3A_231 = tpu.memref_slice %arg4[%dma_start3A_229, %dma_start3A_230] : memref<1000000x32xbf16, #tpu.memory_space<hbm>> -> memref<1000000x32xbf16, #tpu.memory_space<hbm>>
        tpu.enqueue_indirect_dma source(%dma_start3A_231 : memref<1000000x32xbf16, #tpu.memory_space<hbm>>) target(%dma_start3A_226 : memref<128x32xbf16, #tpu.memory_space<vmem>>) offsets(%dma_start3A_228 : memref<128xi32, #tpu.memory_space<vmem>>) semaphore(%arg11 : memref<!tpu.dma_semaphore, #tpu.memory_space<semaphore_mem>>)
        %dma_start3A_232 = arith.constant 768 : i32
        %dma_start3A_233 = arith.constant 0 : i32
        %dma_start3A_234 = tpu.memref_slice %arg9[%dma_start3A_232, %dma_start3A_233] : memref<1024x32xbf16, #tpu.memory_space<vmem>> -> memref<128x32xbf16, #tpu.memory_space<vmem>>
        %dma_start3A_235 = arith.constant 768 : i32
        %dma_start3A_236 = tpu.memref_slice %arg7[%dma_start3A_235] : memref<1024xi32, #tpu.memory_space<vmem>> -> memref<128xi32, #tpu.memory_space<vmem>>
        %dma_start3A_237 = arith.constant 0 : i32
        %dma_start3A_238 = arith.constant 0 : i32
        %dma_start3A_239 = tpu.memref_slice %arg4[%dma_start3A_237, %dma_start3A_238] : memref<1000000x32xbf16, #tpu.memory_space<hbm>> -> memref<1000000x32xbf16, #tpu.memory_space<hbm>>
        tpu.enqueue_indirect_dma source(%dma_start3A_239 : memref<1000000x32xbf16, #tpu.memory_space<hbm>>) target(%dma_start3A_234 : memref<128x32xbf16, #tpu.memory_space<vmem>>) offsets(%dma_start3A_236 : memref<128xi32, #tpu.memory_space<vmem>>) semaphore(%arg11 : memref<!tpu.dma_semaphore, #tpu.memory_space<semaphore_mem>>)
        %dma_start3A_240 = arith.constant 896 : i32
        %dma_start3A_241 = arith.constant 0 : i32
        %dma_start3A_242 = tpu.memref_slice %arg9[%dma_start3A_240, %dma_start3A_241] : memref<1024x32xbf16, #tpu.memory_space<vmem>> -> memref<128x32xbf16, #tpu.memory_space<vmem>>
        %dma_start3A_243 = arith.constant 896 : i32
        %dma_start3A_244 = tpu.memref_slice %arg7[%dma_start3A_243] : memref<1024xi32, #tpu.memory_space<vmem>> -> memref<128xi32, #tpu.memory_space<vmem>>
        %dma_start3A_245 = arith.constant 0 : i32
        %dma_start3A_246 = arith.constant 0 : i32
        %dma_start3A_247 = tpu.memref_slice %arg4[%dma_start3A_245, %dma_start3A_246] : memref<1000000x32xbf16, #tpu.memory_space<hbm>> -> memref<1000000x32xbf16, #tpu.memory_space<hbm>>
        tpu.enqueue_indirect_dma source(%dma_start3A_247 : memref<1000000x32xbf16, #tpu.memory_space<hbm>>) target(%dma_start3A_242 : memref<128x32xbf16, #tpu.memory_space<vmem>>) offsets(%dma_start3A_244 : memref<128xi32, #tpu.memory_space<vmem>>) semaphore(%arg11 : memref<!tpu.dma_semaphore, #tpu.memory_space<semaphore_mem>>)
      } else {
      }
      %mul3A_172 = arith.constant 1024 : i32
      %mul3A_173 = arith.muli %add3A_153, %mul3A_172 : i32
      %add3A_174 = arith.addi %mul3A_2, %mul3A_173 : i32
      %dma_start3A_175 = arith.constant 0 : i32
      %dma_start3A_176 = tpu.memref_slice %arg5[%add3A_174, %dma_start3A_175] : memref<1638400x32xbf16, #tpu.memory_space<hbm>> -> memref<1024x32xbf16, #tpu.memory_space<hbm>>
      %dma_start3A_177 = arith.constant 0 : i32
      %dma_start3A_178 = tpu.memref_slice %arg5[%add3A_174, %dma_start3A_177] : memref<1638400x32xbf16, #tpu.memory_space<hbm>> -> memref<1024x32xbf16, #tpu.memory_space<hbm>>
      tpu.enqueue_dma source(%arg10 : memref<1024x32xbf16, #tpu.memory_space<vmem>>) target(%dma_start3A_178 : memref<1024x32xbf16, #tpu.memory_space<hbm>>) target_semaphore(%arg14 : memref<!tpu.dma_semaphore, #tpu.memory_space<semaphore_mem>>)
    }
    %scan3A_72 = arith.constant 25 : i32
    %dma_wait3A = arith.constant 0 : i32
    %dma_wait3A_73 = arith.constant 0 : i32
    %dma_wait3A_74 = tpu.memref_slice %arg5[%dma_wait3A, %dma_wait3A_73] : memref<1638400x32xbf16, #tpu.memory_space<hbm>> -> memref<1024x32xbf16, #tpu.memory_space<hbm>>
    %dma_wait3A_75 = arith.constant 0 : i32
    %dma_wait3A_76 = arith.constant 0 : i32
    %dma_wait3A_77 = tpu.memref_slice %arg5[%dma_wait3A_75, %dma_wait3A_76] : memref<1638400x32xbf16, #tpu.memory_space<hbm>> -> memref<1024x32xbf16, #tpu.memory_space<hbm>>
    tpu.wait_dma2 semaphore(%arg14 : memref<!tpu.dma_semaphore, #tpu.memory_space<semaphore_mem>>) src(%arg10 : memref<1024x32xbf16, #tpu.memory_space<vmem>>) dst(%dma_wait3A_77 : memref<1024x32xbf16, #tpu.memory_space<hbm>>)
    %mul3A_78 = arith.constant 512 : i32
    %mul3A_79 = arith.muli %add3A, %mul3A_78 : i32
    "tpu.region"() ({
      %run_scoped3A = tpu.sem_alloc : memref<!tpu.dma_semaphore, #tpu.memory_space<semaphore_mem>>
      %dma_start3A_124 = arith.constant 0 : i32
      %dma_start3A_125 = tpu.memref_slice %arg7[%dma_start3A_124] : memref<1024xi32, #tpu.memory_space<vmem>> -> memref<512xi32, #tpu.memory_space<vmem>>
      %dma_start3A_126 = tpu.memref_slice %arg3[%mul3A_79] : memref<16384xi32, #tpu.memory_space<hbm>> -> memref<512xi32, #tpu.memory_space<hbm>>
      %dma_start3A_127 = arith.constant 0 : i32
      %dma_start3A_128 = tpu.memref_slice %arg7[%dma_start3A_127] : memref<1024xi32, #tpu.memory_space<vmem>> -> memref<512xi32, #tpu.memory_space<vmem>>
      %dma_start3A_129 = tpu.memref_slice %arg3[%mul3A_79] : memref<16384xi32, #tpu.memory_space<hbm>> -> memref<512xi32, #tpu.memory_space<hbm>>
      tpu.enqueue_dma source(%dma_start3A_129 : memref<512xi32, #tpu.memory_space<hbm>>) target(%dma_start3A_128 : memref<512xi32, #tpu.memory_space<vmem>>) target_semaphore(%run_scoped3A : memref<!tpu.dma_semaphore, #tpu.memory_space<semaphore_mem>>)
      %dma_wait3A_130 = arith.constant 0 : i32
      %dma_wait3A_131 = tpu.memref_slice %arg7[%dma_wait3A_130] : memref<1024xi32, #tpu.memory_space<vmem>> -> memref<512xi32, #tpu.memory_space<vmem>>
      %dma_wait3A_132 = tpu.memref_slice %arg3[%mul3A_79] : memref<16384xi32, #tpu.memory_space<hbm>> -> memref<512xi32, #tpu.memory_space<hbm>>
      %dma_wait3A_133 = arith.constant 0 : i32
      %dma_wait3A_134 = tpu.memref_slice %arg7[%dma_wait3A_133] : memref<1024xi32, #tpu.memory_space<vmem>> -> memref<512xi32, #tpu.memory_space<vmem>>
      %dma_wait3A_135 = tpu.memref_slice %arg3[%mul3A_79] : memref<16384xi32, #tpu.memory_space<hbm>> -> memref<512xi32, #tpu.memory_space<hbm>>
      tpu.wait_dma2 semaphore(%run_scoped3A : memref<!tpu.dma_semaphore, #tpu.memory_space<semaphore_mem>>) src(%dma_wait3A_135 : memref<512xi32, #tpu.memory_space<hbm>>) dst(%dma_wait3A_134 : memref<512xi32, #tpu.memory_space<vmem>>)
      tpu.yield
    }) : () -> ()
    %dma_start3A_80 = arith.constant 0 : i32
    %dma_start3A_81 = arith.constant 0 : i32
    %dma_start3A_82 = tpu.memref_slice %arg9[%dma_start3A_80, %dma_start3A_81] : memref<1024x32xbf16, #tpu.memory_space<vmem>> -> memref<128x32xbf16, #tpu.memory_space<vmem>>
    %dma_start3A_83 = arith.constant 0 : i32
    %dma_start3A_84 = tpu.memref_slice %arg7[%dma_start3A_83] : memref<1024xi32, #tpu.memory_space<vmem>> -> memref<128xi32, #tpu.memory_space<vmem>>
    %dma_start3A_85 = arith.constant 0 : i32
    %dma_start3A_86 = arith.constant 0 : i32
    %dma_start3A_87 = tpu.memref_slice %arg4[%dma_start3A_85, %dma_start3A_86] : memref<1000000x32xbf16, #tpu.memory_space<hbm>> -> memref<1000000x32xbf16, #tpu.memory_space<hbm>>
    tpu.enqueue_indirect_dma source(%dma_start3A_87 : memref<1000000x32xbf16, #tpu.memory_space<hbm>>) target(%dma_start3A_82 : memref<128x32xbf16, #tpu.memory_space<vmem>>) offsets(%dma_start3A_84 : memref<128xi32, #tpu.memory_space<vmem>>) semaphore(%arg11 : memref<!tpu.dma_semaphore, #tpu.memory_space<semaphore_mem>>)
    %dma_start3A_88 = arith.constant 128 : i32
    %dma_start3A_89 = arith.constant 0 : i32
    %dma_start3A_90 = tpu.memref_slice %arg9[%dma_start3A_88, %dma_start3A_89] : memref<1024x32xbf16, #tpu.memory_space<vmem>> -> memref<128x32xbf16, #tpu.memory_space<vmem>>
    %dma_start3A_91 = arith.constant 128 : i32
    %dma_start3A_92 = tpu.memref_slice %arg7[%dma_start3A_91] : memref<1024xi32, #tpu.memory_space<vmem>> -> memref<128xi32, #tpu.memory_space<vmem>>
    %dma_start3A_93 = arith.constant 0 : i32
    %dma_start3A_94 = arith.constant 0 : i32
    %dma_start3A_95 = tpu.memref_slice %arg4[%dma_start3A_93, %dma_start3A_94] : memref<1000000x32xbf16, #tpu.memory_space<hbm>> -> memref<1000000x32xbf16, #tpu.memory_space<hbm>>
    tpu.enqueue_indirect_dma source(%dma_start3A_95 : memref<1000000x32xbf16, #tpu.memory_space<hbm>>) target(%dma_start3A_90 : memref<128x32xbf16, #tpu.memory_space<vmem>>) offsets(%dma_start3A_92 : memref<128xi32, #tpu.memory_space<vmem>>) semaphore(%arg11 : memref<!tpu.dma_semaphore, #tpu.memory_space<semaphore_mem>>)
    %dma_start3A_96 = arith.constant 256 : i32
    %dma_start3A_97 = arith.constant 0 : i32
    %dma_start3A_98 = tpu.memref_slice %arg9[%dma_start3A_96, %dma_start3A_97] : memref<1024x32xbf16, #tpu.memory_space<vmem>> -> memref<128x32xbf16, #tpu.memory_space<vmem>>
    %dma_start3A_99 = arith.constant 256 : i32
    %dma_start3A_100 = tpu.memref_slice %arg7[%dma_start3A_99] : memref<1024xi32, #tpu.memory_space<vmem>> -> memref<128xi32, #tpu.memory_space<vmem>>
    %dma_start3A_101 = arith.constant 0 : i32
    %dma_start3A_102 = arith.constant 0 : i32
    %dma_start3A_103 = tpu.memref_slice %arg4[%dma_start3A_101, %dma_start3A_102] : memref<1000000x32xbf16, #tpu.memory_space<hbm>> -> memref<1000000x32xbf16, #tpu.memory_space<hbm>>
    tpu.enqueue_indirect_dma source(%dma_start3A_103 : memref<1000000x32xbf16, #tpu.memory_space<hbm>>) target(%dma_start3A_98 : memref<128x32xbf16, #tpu.memory_space<vmem>>) offsets(%dma_start3A_100 : memref<128xi32, #tpu.memory_space<vmem>>) semaphore(%arg11 : memref<!tpu.dma_semaphore, #tpu.memory_space<semaphore_mem>>)
    %dma_start3A_104 = arith.constant 384 : i32
    %dma_start3A_105 = arith.constant 0 : i32
    %dma_start3A_106 = tpu.memref_slice %arg9[%dma_start3A_104, %dma_start3A_105] : memref<1024x32xbf16, #tpu.memory_space<vmem>> -> memref<128x32xbf16, #tpu.memory_space<vmem>>
    %dma_start3A_107 = arith.constant 384 : i32
    %dma_start3A_108 = tpu.memref_slice %arg7[%dma_start3A_107] : memref<1024xi32, #tpu.memory_space<vmem>> -> memref<128xi32, #tpu.memory_space<vmem>>
    %dma_start3A_109 = arith.constant 0 : i32
    %dma_start3A_110 = arith.constant 0 : i32
    %dma_start3A_111 = tpu.memref_slice %arg4[%dma_start3A_109, %dma_start3A_110] : memref<1000000x32xbf16, #tpu.memory_space<hbm>> -> memref<1000000x32xbf16, #tpu.memory_space<hbm>>
    tpu.enqueue_indirect_dma source(%dma_start3A_111 : memref<1000000x32xbf16, #tpu.memory_space<hbm>>) target(%dma_start3A_106 : memref<128x32xbf16, #tpu.memory_space<vmem>>) offsets(%dma_start3A_108 : memref<128xi32, #tpu.memory_space<vmem>>) semaphore(%arg11 : memref<!tpu.dma_semaphore, #tpu.memory_space<semaphore_mem>>)
    %dma_wait3A_112 = arith.constant 0 : i32
    %dma_wait3A_113 = arith.constant 0 : i32
    %dma_wait3A_114 = tpu.memref_slice %arg9[%dma_wait3A_112, %dma_wait3A_113] : memref<1024x32xbf16, #tpu.memory_space<vmem>> -> memref<512x32xbf16, #tpu.memory_space<vmem>>
    %dma_wait3A_115 = arith.constant 0 : i32
    %dma_wait3A_116 = arith.constant 0 : i32
    %dma_wait3A_117 = tpu.memref_slice %arg5[%dma_wait3A_115, %dma_wait3A_116] : memref<1638400x32xbf16, #tpu.memory_space<hbm>> -> memref<512x32xbf16, #tpu.memory_space<hbm>>
    %dma_wait3A_118 = arith.constant 0 : i32
    %dma_wait3A_119 = arith.constant 0 : i32
    %dma_wait3A_120 = tpu.memref_slice %arg9[%dma_wait3A_118, %dma_wait3A_119] : memref<1024x32xbf16, #tpu.memory_space<vmem>> -> memref<512x32xbf16, #tpu.memory_space<vmem>>
    %dma_wait3A_121 = arith.constant 0 : i32
    %dma_wait3A_122 = arith.constant 0 : i32
    %dma_wait3A_123 = tpu.memref_slice %arg5[%dma_wait3A_121, %dma_wait3A_122] : memref<1638400x32xbf16, #tpu.memory_space<hbm>> -> memref<512x32xbf16, #tpu.memory_space<hbm>>
    tpu.wait_dma2 semaphore(%arg11 : memref<!tpu.dma_semaphore, #tpu.memory_space<semaphore_mem>>) src(%dma_wait3A_123 : memref<512x32xbf16, #tpu.memory_space<hbm>>) dst(%dma_wait3A_120 : memref<512x32xbf16, #tpu.memory_space<vmem>>)
    "tpu.region"() ({
      %run_scoped3A = tpu.sem_alloc : memref<!tpu.dma_semaphore, #tpu.memory_space<semaphore_mem>>
      %dma_start3A_124 = arith.constant 0 : i32
      %dma_start3A_125 = arith.constant 0 : i32
      %dma_start3A_126 = tpu.memref_slice %arg9[%dma_start3A_124, %dma_start3A_125] : memref<1024x32xbf16, #tpu.memory_space<vmem>> -> memref<512x32xbf16, #tpu.memory_space<vmem>>
      %dma_start3A_127 = arith.constant 0 : i32
      %dma_start3A_128 = tpu.memref_slice %arg6[%mul3A_79, %dma_start3A_127] : memref<16384x32xbf16, #tpu.memory_space<hbm>> -> memref<512x32xbf16, #tpu.memory_space<hbm>>
      %dma_start3A_129 = arith.constant 0 : i32
      %dma_start3A_130 = tpu.memref_slice %arg6[%mul3A_79, %dma_start3A_129] : memref<16384x32xbf16, #tpu.memory_space<hbm>> -> memref<512x32xbf16, #tpu.memory_space<hbm>>
      %dma_start3A_131 = arith.constant 0 : i32
      %dma_start3A_132 = arith.constant 0 : i32
      %dma_start3A_133 = tpu.memref_slice %arg9[%dma_start3A_131, %dma_start3A_132] : memref<1024x32xbf16, #tpu.memory_space<vmem>> -> memref<512x32xbf16, #tpu.memory_space<vmem>>
      tpu.enqueue_dma source(%dma_start3A_133 : memref<512x32xbf16, #tpu.memory_space<vmem>>) target(%dma_start3A_130 : memref<512x32xbf16, #tpu.memory_space<hbm>>) target_semaphore(%run_scoped3A : memref<!tpu.dma_semaphore, #tpu.memory_space<semaphore_mem>>)
      %dma_wait3A_134 = arith.constant 0 : i32
      %dma_wait3A_135 = arith.constant 0 : i32
      %dma_wait3A_136 = tpu.memref_slice %arg9[%dma_wait3A_134, %dma_wait3A_135] : memref<1024x32xbf16, #tpu.memory_space<vmem>> -> memref<512x32xbf16, #tpu.memory_space<vmem>>
      %dma_wait3A_137 = arith.constant 0 : i32
      %dma_wait3A_138 = tpu.memref_slice %arg6[%mul3A_79, %dma_wait3A_137] : memref<16384x32xbf16, #tpu.memory_space<hbm>> -> memref<512x32xbf16, #tpu.memory_space<hbm>>
      %dma_wait3A_139 = arith.constant 0 : i32
      %dma_wait3A_140 = tpu.memref_slice %arg6[%mul3A_79, %dma_wait3A_139] : memref<16384x32xbf16, #tpu.memory_space<hbm>> -> memref<512x32xbf16, #tpu.memory_space<hbm>>
      %dma_wait3A_141 = arith.constant 0 : i32
      %dma_wait3A_142 = arith.constant 0 : i32
      %dma_wait3A_143 = tpu.memref_slice %arg9[%dma_wait3A_141, %dma_wait3A_142] : memref<1024x32xbf16, #tpu.memory_space<vmem>> -> memref<512x32xbf16, #tpu.memory_space<vmem>>
      tpu.wait_dma2 semaphore(%run_scoped3A : memref<!tpu.dma_semaphore, #tpu.memory_space<semaphore_mem>>) src(%dma_wait3A_143 : memref<512x32xbf16, #tpu.memory_space<vmem>>) dst(%dma_wait3A_140 : memref<512x32xbf16, #tpu.memory_space<hbm>>)
      tpu.yield
    }) : () -> ()
    return
  }
}

module attributes {stable_mosaic.version = 14 : i64} {
  func.func @body(%arg0: i32, %arg1: memref<4x928xi32, #tpu.memory_space<smem>>, %arg2: memref<1x1x256xi32, #tpu.memory_space<vmem>>, %arg3: memref<128x32xbf16, #tpu.memory_space<vmem>>, %arg4: memref<96x32xbf16, #tpu.memory_space<vmem>>, %arg5: memref<1x32xf32, #tpu.memory_space<vmem>>, %arg6: memref<32x1xbf16, #tpu.memory_space<vmem>>, %arg7: memref<1x1xf32, #tpu.memory_space<vmem>>, %arg8: memref<64x128xf32, #tpu.memory_space<vmem>>, %arg9: memref<1x128xf32, #tpu.memory_space<vmem>>, %arg10: memref<128x64xf32, #tpu.memory_space<vmem>>, %arg11: memref<1x64xf32, #tpu.memory_space<vmem>>, %arg12: memref<64x1xf32, #tpu.memory_space<vmem>>, %arg13: memref<1x1xf32, #tpu.memory_space<vmem>>, %arg14: memref<2048x32xbf16, #tpu.memory_space<vmem>>, %arg15: memref<128x1xf32, #tpu.memory_space<vmem>>, %arg16: memref<128x32xf32, #tpu.memory_space<vmem>>, %arg17: memref<128x1xf32, #tpu.memory_space<vmem>>) attributes {dimension_semantics = [#tpu.dimension_semantics<arbitrary>], iteration_bounds = array<i64: 928>, scalar_prefetch = 1 : i64, scratch_operands = 2 : i64, tpu.core_type = #tpu.core_type<tc>, window_params = [{transform_indices = @transform_0, window_bounds = array<i64: 1, 1, 256>}, {transform_indices = @transform_1, window_bounds = array<i64: 128, 32>}, {pipeline_mode = #tpu.pipeline_mode<synchronous>, transform_indices = @transform_2, window_bounds = array<i64: 96, 32>}, {pipeline_mode = #tpu.pipeline_mode<synchronous>, transform_indices = @transform_3, window_bounds = array<i64: 1, 32>}, {pipeline_mode = #tpu.pipeline_mode<synchronous>, transform_indices = @transform_4, window_bounds = array<i64: 32, 1>}, {pipeline_mode = #tpu.pipeline_mode<synchronous>, transform_indices = @transform_5, window_bounds = array<i64: 1, 1>}, {pipeline_mode = #tpu.pipeline_mode<synchronous>, transform_indices = @transform_6, window_bounds = array<i64: 64, 128>}, {pipeline_mode = #tpu.pipeline_mode<synchronous>, transform_indices = @transform_7, window_bounds = array<i64: 1, 128>}, {pipeline_mode = #tpu.pipeline_mode<synchronous>, transform_indices = @transform_8, window_bounds = array<i64: 128, 64>}, {pipeline_mode = #tpu.pipeline_mode<synchronous>, transform_indices = @transform_9, window_bounds = array<i64: 1, 64>}, {pipeline_mode = #tpu.pipeline_mode<synchronous>, transform_indices = @transform_10, window_bounds = array<i64: 64, 1>}, {pipeline_mode = #tpu.pipeline_mode<synchronous>, transform_indices = @transform_11, window_bounds = array<i64: 1, 1>}, {transform_indices = @transform_12, window_bounds = array<i64: 2048, 32>}, {transform_indices = @transform_13, window_bounds = array<i64: 128, 1>}]} {
    %get3A = arith.constant 1 : index
    %get3A_0 = arith.index_cast %arg0 : i32 to index
    %get3A_1 = memref.load %arg1[%get3A, %get3A_0] : memref<4x928xi32, #tpu.memory_space<smem>>
    %mul3A = arith.constant 2048 : i32
    %mul3A_2 = arith.muli %get3A_1, %mul3A : i32
    %get3A_3 = arith.constant 2 : index
    %get3A_4 = arith.index_cast %arg0 : i32 to index
    %get3A_5 = memref.load %arg1[%get3A_3, %get3A_4] : memref<4x928xi32, #tpu.memory_space<smem>>
    %eq3A = arith.constant 1 : i32
    %eq3A_6 = arith.cmpi eq, %get3A_5, %eq3A : i32
    %convert_element_type3A = arith.extui %eq3A_6 : i1 to i32
    %cond3A = arith.constant 0 : i32
    %cond3A_7 = arith.cmpi ne, %convert_element_type3A, %cond3A : i32
    scf.if %cond3A_7 {
      %broadcast_in_dim3A_113 = arith.constant 0.000000e+00 : f32
      %broadcast_in_dim3A_114 = vector.broadcast %broadcast_in_dim3A_113 : f32 to vector<128x32xf32>
      %swap3A_115 = arith.constant 0 : index
      %swap3A_116 = arith.constant 0 : index
      %swap3A_117 = vector.load %arg16[%swap3A_115, %swap3A_116] : memref<128x32xf32, #tpu.memory_space<vmem>>, vector<128x32xf32>
      tpu.vector_store %arg16[%swap3A_115, %swap3A_116], %broadcast_in_dim3A_114 {strides = array<i32>} : memref<128x32xf32, #tpu.memory_space<vmem>>, vector<128x32xf32>,
      %broadcast_in_dim3A_118 = arith.constant 0.000000e+00 : f32
      %broadcast_in_dim3A_119 = vector.broadcast %broadcast_in_dim3A_118 : f32 to vector<128x1xf32>
      %swap3A_120 = arith.constant 0 : index
      %swap3A_121 = arith.constant 0 : index
      %swap3A_122 = vector.load %arg17[%swap3A_120, %swap3A_121] : memref<128x1xf32, #tpu.memory_space<vmem>>, vector<128x1xf32>
      tpu.vector_store %arg17[%swap3A_120, %swap3A_121], %broadcast_in_dim3A_119 {strides = array<i32>} : memref<128x1xf32, #tpu.memory_space<vmem>>, vector<128x1xf32>,
    } else {
    }
    %get3A_8 = arith.constant 0 : index
    %get3A_9 = arith.constant 0 : index
    %get3A_10 = arith.constant 0 : index
    %get3A_11 = vector.load %arg2[%get3A_8, %get3A_9, %get3A_10] : memref<1x1x256xi32, #tpu.memory_space<vmem>>, vector<1x1x128xi32>
    %get3A_12 = vector.shape_cast %get3A_11 : vector<1x1x128xi32> to vector<128xi32>
    %reshape3A = vector.shape_cast %get3A_12 : vector<128xi32> to vector<1x128xi32>
    %get3A_13 = arith.constant 0 : index
    %get3A_14 = arith.constant 0 : index
    %get3A_15 = arith.constant 1 : index
    %get3A_16 = vector.load %arg2[%get3A_13, %get3A_14, %get3A_15] : memref<1x1x256xi32, #tpu.memory_space<vmem>>, vector<1x1x128xi32>
    %get3A_17 = vector.shape_cast %get3A_16 : vector<1x1x128xi32> to vector<128xi32>
    %reshape3A_18 = vector.shape_cast %get3A_17 : vector<128xi32> to vector<1x128xi32>
    %get3A_19 = arith.constant 0 : index
    %get3A_20 = arith.constant 0 : index
    %get3A_21 = vector.load %arg3[%get3A_19, %get3A_20] : memref<128x32xbf16, #tpu.memory_space<vmem>>, vector<128x32xbf16>
    %iota3A = tpu.iota {dimensions = array<i32: 0>} : vector<2048x128xi16>
    %get3A_22 = arith.constant 0 : index
    %get3A_23 = arith.constant 0 : index
    %get3A_24 = vector.load %arg14[%get3A_22, %get3A_23] : memref<2048x32xbf16, #tpu.memory_space<vmem>>, vector<2048x32xbf16>
    %sub3A = vector.broadcast %mul3A_2 : i32 to vector<1x128xi32>
    %sub3A_25 = arith.subi %reshape3A, %sub3A : vector<1x128xi32>
    %jit3A = arith.constant -2 : i32
    %jit3A_26 = arith.constant 2049 : i32
    %max3A = vector.broadcast %jit3A : i32 to vector<1x128xi32>
    %max3A_27 = arith.maxsi %max3A, %sub3A_25 : vector<1x128xi32>
    %min3A = vector.broadcast %jit3A_26 : i32 to vector<1x128xi32>
    %min3A_28 = arith.minsi %min3A, %max3A_27 : vector<1x128xi32>
    %convert_element_type3A_29 = arith.trunci %min3A_28 : vector<1x128xi32> to vector<1x128xi16>
    %sub3A_30 = vector.broadcast %mul3A_2 : i32 to vector<1x128xi32>
    %sub3A_31 = arith.subi %reshape3A_18, %sub3A_30 : vector<1x128xi32>
    %jit3A_32 = arith.constant -2 : i32
    %jit3A_33 = arith.constant 2049 : i32
    %max3A_34 = vector.broadcast %jit3A_32 : i32 to vector<1x128xi32>
    %max3A_35 = arith.maxsi %max3A_34, %sub3A_31 : vector<1x128xi32>
    %min3A_36 = vector.broadcast %jit3A_33 : i32 to vector<1x128xi32>
    %min3A_37 = arith.minsi %min3A_36, %max3A_35 : vector<1x128xi32>
    %convert_element_type3A_38 = arith.trunci %min3A_37 : vector<1x128xi32> to vector<1x128xi16>
    %ge3A = vector.broadcast %convert_element_type3A_29 : vector<1x128xi16> to vector<2048x128xi16>
    %ge3A_39 = arith.cmpi sge, %iota3A, %ge3A : vector<2048x128xi16>
    %lt3A = vector.broadcast %convert_element_type3A_38 : vector<1x128xi16> to vector<2048x128xi16>
    %lt3A_40 = arith.cmpi slt, %iota3A, %lt3A : vector<2048x128xi16>
    %and3A = arith.andi %ge3A_39, %lt3A_40 : vector<2048x128xi1>
    %jit3A_41 = arith.constant 1.000000e+00 : bf16
    %jit3A_42 = arith.constant 0.000000e+00 : bf16
    %broadcast_in_dim3A = vector.broadcast %jit3A_41 : bf16 to vector<2048x128xbf16>
    %broadcast_in_dim3A_43 = vector.broadcast %jit3A_42 : bf16 to vector<2048x128xbf16>
    %select_n3A = arith.select %and3A, %broadcast_in_dim3A, %broadcast_in_dim3A_43 : vector<2048x128xi1>, vector<2048x128xbf16>
    %dot_general3A = arith.constant dense<0.000000e+00> : vector<2048x32xf32>
    %dot_general3A_44 = tpu.matmul %select_n3A, %get3A_21, %dot_general3A {dimension_numbers = #tpu.dot_dimension_numbers<[1], [0], [0], [1], [0, 0, 1, 1], [], []>, transpose_lhs_hint = false} : vector<2048x128xbf16>, vector<128x32xbf16>, vector<2048x32xf32> -> vector<2048x32xf32>
    %convert_element_type3A_45 = arith.truncf %dot_general3A_44 : vector<2048x32xf32> to vector<2048x32xbf16>
    %get3A_46 = arith.constant 0 : index
    %get3A_47 = arith.constant 0 : index
    %get3A_48 = vector.load %arg4[%get3A_46, %get3A_47] : memref<96x32xbf16, #tpu.memory_space<vmem>>, vector<32x32xbf16>
    %get3A_49 = arith.constant 32 : index
    %get3A_50 = arith.constant 0 : index
    %get3A_51 = vector.load %arg4[%get3A_49, %get3A_50] : memref<96x32xbf16, #tpu.memory_space<vmem>>, vector<32x32xbf16>
    %get3A_52 = arith.constant 64 : index
    %get3A_53 = arith.constant 0 : index
    %get3A_54 = vector.load %arg4[%get3A_52, %get3A_53] : memref<96x32xbf16, #tpu.memory_space<vmem>>, vector<32x32xbf16>
    %dot_general3A_55 = arith.constant dense<0.000000e+00> : vector<2048x32xf32>
    %dot_general3A_56 = tpu.matmul %get3A_24, %get3A_48, %dot_general3A_55 {dimension_numbers = #tpu.dot_dimension_numbers<[1], [0], [0], [1], [0, 0, 1, 1], [], []>, transpose_lhs_hint = false} : vector<2048x32xbf16>, vector<32x32xbf16>, vector<2048x32xf32> -> vector<2048x32xf32>
    %dot_general3A_57 = arith.constant dense<0.000000e+00> : vector<2048x32xf32>
    %dot_general3A_58 = tpu.matmul %convert_element_type3A_45, %get3A_51, %dot_general3A_57 {dimension_numbers = #tpu.dot_dimension_numbers<[1], [0], [0], [1], [0, 0, 1, 1], [], []>, transpose_lhs_hint = false} : vector<2048x32xbf16>, vector<32x32xbf16>, vector<2048x32xf32> -> vector<2048x32xf32>
    %add3A = arith.addf %dot_general3A_56, %dot_general3A_58 : vector<2048x32xf32>
    %mul3A_59 = arith.mulf %get3A_24, %convert_element_type3A_45 : vector<2048x32xbf16>
    %dot_general3A_60 = arith.constant dense<0.000000e+00> : vector<2048x32xf32>
    %dot_general3A_61 = tpu.matmul %mul3A_59, %get3A_54, %dot_general3A_60 {dimension_numbers = #tpu.dot_dimension_numbers<[1], [0], [0], [1], [0, 0, 1, 1], [], []>, transpose_lhs_hint = false} : vector<2048x32xbf16>, vector<32x32xbf16>, vector<2048x32xf32> -> vector<2048x32xf32>
    %add3A_62 = arith.addf %add3A, %dot_general3A_61 : vector<2048x32xf32>
    %get3A_63 = arith.constant 0 : index
    %get3A_64 = arith.constant 0 : index
    %get3A_65 = vector.load %arg5[%get3A_63, %get3A_64] : memref<1x32xf32, #tpu.memory_space<vmem>>, vector<1x32xf32>
    %add3A_66 = vector.broadcast %get3A_65 : vector<1x32xf32> to vector<2048x32xf32>
    %add3A_67 = arith.addf %add3A_62, %add3A_66 : vector<2048x32xf32>
    %max3A_68 = arith.constant 0.000000e+00 : f32
    %max3A_69 = vector.broadcast %max3A_68 : f32 to vector<2048x32xf32>
    %max3A_70 = arith.maximumf %add3A_67, %max3A_69 : vector<2048x32xf32>
    %convert_element_type3A_71 = arith.truncf %max3A_70 : vector<2048x32xf32> to vector<2048x32xbf16>
    %get3A_72 = arith.constant 0 : index
    %get3A_73 = arith.constant 0 : index
    %get3A_74 = vector.load %arg6[%get3A_72, %get3A_73] : memref<32x1xbf16, #tpu.memory_space<vmem>>, vector<32x1xbf16>
    %dot_general3A_75 = arith.constant dense<0.000000e+00> : vector<2048x1xf32>
    %dot_general3A_76 = tpu.matmul %convert_element_type3A_71, %get3A_74, %dot_general3A_75 {dimension_numbers = #tpu.dot_dimension_numbers<[1], [0], [0], [1], [0, 0, 1, 1], [], []>, transpose_lhs_hint = false} : vector<2048x32xbf16>, vector<32x1xbf16>, vector<2048x1xf32> -> vector<2048x1xf32>
    %get3A_77 = arith.constant 0 : index
    %get3A_78 = arith.constant 0 : index
    %get3A_79 = vector.load %arg7[%get3A_77, %get3A_78] : memref<1x1xf32, #tpu.memory_space<vmem>>, vector<1x1xf32>
    %get3A_80 = vector.extract %get3A_79[0, 0] : f32 from vector<1x1xf32>
    %add3A_81 = vector.broadcast %get3A_80 : f32 to vector<2048x1xf32>
    %add3A_82 = arith.addf %dot_general3A_76, %add3A_81 : vector<2048x1xf32>
    %exp3A = math.exp %add3A_82 : vector<2048x1xf32>
    %convert_element_type3A_83 = arith.truncf %exp3A : vector<2048x1xf32> to vector<2048x1xbf16>
    %mul3A_84 = vector.broadcast %convert_element_type3A_83 : vector<2048x1xbf16> to vector<2048x128xbf16>
    %mul3A_85 = arith.mulf %select_n3A, %mul3A_84 : vector<2048x128xbf16>
    %broadcast_in_dim3A_86 = arith.constant 1.000000e+00 : bf16
    %broadcast_in_dim3A_87 = vector.broadcast %broadcast_in_dim3A_86 : bf16 to vector<2048x1xbf16>
    %get3A_88 = arith.constant 0 : index
    %get3A_89 = arith.constant 0 : index
    %get3A_90 = vector.load %arg16[%get3A_88, %get3A_89] : memref<128x32xf32, #tpu.memory_space<vmem>>, vector<128x32xf32>
    %dot_general3A_91 = arith.constant dense<0.000000e+00> : vector<128x32xf32>
    %dot_general3A_92 = tpu.matmul %mul3A_85, %get3A_24, %dot_general3A_91 {dimension_numbers = #tpu.dot_dimension_numbers<[0], [0], [1], [1], [0, 1, 1, 1], [], []>, transpose_lhs_hint = false} : vector<2048x128xbf16>, vector<2048x32xbf16>, vector<128x32xf32> -> vector<128x32xf32>
    %add3A_93 = arith.addf %get3A_90, %dot_general3A_92 : vector<128x32xf32>
    %swap3A = arith.constant 0 : index
    %swap3A_94 = arith.constant 0 : index
    %swap3A_95 = vector.load %arg16[%swap3A, %swap3A_94] : memref<128x32xf32, #tpu.memory_space<vmem>>, vector<128x32xf32>
    tpu.vector_store %arg16[%swap3A, %swap3A_94], %add3A_93 {strides = array<i32>} : memref<128x32xf32, #tpu.memory_space<vmem>>, vector<128x32xf32>,
    %get3A_96 = arith.constant 0 : index
    %get3A_97 = arith.constant 0 : index
    %get3A_98 = vector.load %arg17[%get3A_96, %get3A_97] : memref<128x1xf32, #tpu.memory_space<vmem>>, vector<128x1xf32>
    %dot_general3A_99 = arith.constant dense<0.000000e+00> : vector<128x1xf32>
    %dot_general3A_100 = tpu.matmul %mul3A_85, %broadcast_in_dim3A_87, %dot_general3A_99 {dimension_numbers = #tpu.dot_dimension_numbers<[0], [0], [1], [1], [0, 1, 1, 1], [], []>, transpose_lhs_hint = false} : vector<2048x128xbf16>, vector<2048x1xbf16>, vector<128x1xf32> -> vector<128x1xf32>
    %add3A_101 = arith.addf %get3A_98, %dot_general3A_100 : vector<128x1xf32>
    %swap3A_102 = arith.constant 0 : index
    %swap3A_103 = arith.constant 0 : index
    %swap3A_104 = vector.load %arg17[%swap3A_102, %swap3A_103] : memref<128x1xf32, #tpu.memory_space<vmem>>, vector<128x1xf32>
    tpu.vector_store %arg17[%swap3A_102, %swap3A_103], %add3A_101 {strides = array<i32>} : memref<128x1xf32, #tpu.memory_space<vmem>>, vector<128x1xf32>,
    %get3A_105 = arith.constant 3 : index
    %get3A_106 = arith.index_cast %arg0 : i32 to index
    %get3A_107 = memref.load %arg1[%get3A_105, %get3A_106] : memref<4x928xi32, #tpu.memory_space<smem>>
    %eq3A_108 = arith.constant 1 : i32
    %eq3A_109 = arith.cmpi eq, %get3A_107, %eq3A_108 : i32
    %convert_element_type3A_110 = arith.extui %eq3A_109 : i1 to i32
    %cond3A_111 = arith.constant 0 : i32
    %cond3A_112 = arith.cmpi ne, %convert_element_type3A_110, %cond3A_111 : i32
    scf.if %cond3A_112 {
      %get3A_113 = arith.constant 0 : index
      %get3A_114 = arith.constant 0 : index
      %get3A_115 = vector.load %arg16[%get3A_113, %get3A_114] : memref<128x32xf32, #tpu.memory_space<vmem>>, vector<128x32xf32>
      %get3A_116 = arith.constant 0 : index
      %get3A_117 = arith.constant 0 : index
      %get3A_118 = vector.load %arg17[%get3A_116, %get3A_117] : memref<128x1xf32, #tpu.memory_space<vmem>>, vector<128x1xf32>
      %add3A_119 = arith.constant 9.99999971E-10 : f32
      %add3A_120 = vector.broadcast %add3A_119 : f32 to vector<128x1xf32>
      %add3A_121 = arith.addf %get3A_118, %add3A_120 : vector<128x1xf32>
      %div3A = vector.broadcast %add3A_121 : vector<128x1xf32> to vector<128x32xf32>
      %div3A_122 = arith.divf %get3A_115, %div3A : vector<128x32xf32>
      %convert_element_type3A_123 = arith.extf %get3A_21 : vector<128x32xbf16> to vector<128x32xf32>
      %concatenate3A = tpu.concatenate %convert_element_type3A_123, %div3A_122 in 1 : vector<128x32xf32>, vector<128x32xf32> -> vector<128x64xf32>
      %get3A_124 = arith.constant 0 : index
      %get3A_125 = arith.constant 0 : index
      %get3A_126 = vector.load %arg8[%get3A_124, %get3A_125] : memref<64x128xf32, #tpu.memory_space<vmem>>, vector<64x128xf32>
      %dot_general3A_127 = arith.constant dense<0.000000e+00> : vector<128x128xf32>
      %dot_general3A_128 = tpu.matmul %concatenate3A, %get3A_126, %dot_general3A_127 {dimension_numbers = #tpu.dot_dimension_numbers<[1], [0], [0], [1], [0, 0, 1, 1], [], []>, transpose_lhs_hint = false} : vector<128x64xf32>, vector<64x128xf32>, vector<128x128xf32> -> vector<128x128xf32>
      %get3A_129 = arith.constant 0 : index
      %get3A_130 = arith.constant 0 : index
      %get3A_131 = vector.load %arg9[%get3A_129, %get3A_130] : memref<1x128xf32, #tpu.memory_space<vmem>>, vector<1x128xf32>
      %add3A_132 = vector.broadcast %get3A_131 : vector<1x128xf32> to vector<128x128xf32>
      %add3A_133 = arith.addf %dot_general3A_128, %add3A_132 : vector<128x128xf32>
      %max3A_134 = arith.constant 0.000000e+00 : f32
      %max3A_135 = vector.broadcast %max3A_134 : f32 to vector<128x128xf32>
      %max3A_136 = arith.maximumf %add3A_133, %max3A_135 : vector<128x128xf32>
      %get3A_137 = arith.constant 0 : index
      %get3A_138 = arith.constant 0 : index
      %get3A_139 = vector.load %arg10[%get3A_137, %get3A_138] : memref<128x64xf32, #tpu.memory_space<vmem>>, vector<128x64xf32>
      %dot_general3A_140 = arith.constant dense<0.000000e+00> : vector<128x64xf32>
      %dot_general3A_141 = tpu.matmul %max3A_136, %get3A_139, %dot_general3A_140 {dimension_numbers = #tpu.dot_dimension_numbers<[1], [0], [0], [1], [0, 0, 1, 1], [], []>, transpose_lhs_hint = false} : vector<128x128xf32>, vector<128x64xf32>, vector<128x64xf32> -> vector<128x64xf32>
      %get3A_142 = arith.constant 0 : index
      %get3A_143 = arith.constant 0 : index
      %get3A_144 = vector.load %arg11[%get3A_142, %get3A_143] : memref<1x64xf32, #tpu.memory_space<vmem>>, vector<1x64xf32>
      %add3A_145 = vector.broadcast %get3A_144 : vector<1x64xf32> to vector<128x64xf32>
      %add3A_146 = arith.addf %dot_general3A_141, %add3A_145 : vector<128x64xf32>
      %max3A_147 = arith.constant 0.000000e+00 : f32
      %max3A_148 = vector.broadcast %max3A_147 : f32 to vector<128x64xf32>
      %max3A_149 = arith.maximumf %add3A_146, %max3A_148 : vector<128x64xf32>
      %get3A_150 = arith.constant 0 : index
      %get3A_151 = arith.constant 0 : index
      %get3A_152 = vector.load %arg12[%get3A_150, %get3A_151] : memref<64x1xf32, #tpu.memory_space<vmem>>, vector<64x1xf32>
      %dot_general3A_153 = arith.constant dense<0.000000e+00> : vector<128x1xf32>
      %dot_general3A_154 = tpu.matmul %max3A_149, %get3A_152, %dot_general3A_153 {dimension_numbers = #tpu.dot_dimension_numbers<[1], [0], [0], [1], [0, 0, 1, 1], [], []>, transpose_lhs_hint = false} : vector<128x64xf32>, vector<64x1xf32>, vector<128x1xf32> -> vector<128x1xf32>
      %get3A_155 = arith.constant 0 : index
      %get3A_156 = arith.constant 0 : index
      %get3A_157 = vector.load %arg13[%get3A_155, %get3A_156] : memref<1x1xf32, #tpu.memory_space<vmem>>, vector<1x1xf32>
      %get3A_158 = vector.extract %get3A_157[0, 0] : f32 from vector<1x1xf32>
      %add3A_159 = vector.broadcast %get3A_158 : f32 to vector<128x1xf32>
      %add3A_160 = arith.addf %dot_general3A_154, %add3A_159 : vector<128x1xf32>
      %logistic3A = arith.negf %add3A_160 : vector<128x1xf32>
      %logistic3A_161 = math.exp %logistic3A : vector<128x1xf32>
      %logistic3A_162 = arith.constant 1.000000e+00 : f32
      %logistic3A_163 = vector.broadcast %logistic3A_162 : f32 to vector<128x1xf32>
      %logistic3A_164 = arith.addf %logistic3A_163, %logistic3A_161 : vector<128x1xf32>
      %logistic3A_165 = arith.divf %logistic3A_163, %logistic3A_164 : vector<128x1xf32>
      %swap3A_166 = arith.constant 0 : index
      %swap3A_167 = arith.constant 0 : index
      %swap3A_168 = vector.load %arg15[%swap3A_166, %swap3A_167] : memref<128x1xf32, #tpu.memory_space<vmem>>, vector<128x1xf32>
      tpu.vector_store %arg15[%swap3A_166, %swap3A_167], %logistic3A_165 {strides = array<i32>} : memref<128x1xf32, #tpu.memory_space<vmem>>, vector<128x1xf32>,
    } else {
    }
    return
  }
  func.func @transform_0(%arg0: i32, %arg1: memref<4x928xi32, #tpu.memory_space<smem>>) -> (i32, i32, i32) {
    %get3A = arith.constant 0 : index
    %get3A_0 = arith.index_cast %arg0 : i32 to index
    %get3A_1 = memref.load %arg1[%get3A, %get3A_0] : memref<4x928xi32, #tpu.memory_space<smem>>
    %c0_i32 = arith.constant 0 : i32
    %c0_i32_2 = arith.constant 0 : i32
    %c0_i32_3 = arith.constant 0 : i32
    return %get3A_1, %c0_i32, %c0_i32_2 : i32, i32, i32
  }
  func.func @transform_1(%arg0: i32, %arg1: memref<4x928xi32, #tpu.memory_space<smem>>) -> (i32, i32) {
    %get3A = arith.constant 0 : index
    %get3A_0 = arith.index_cast %arg0 : i32 to index
    %get3A_1 = memref.load %arg1[%get3A, %get3A_0] : memref<4x928xi32, #tpu.memory_space<smem>>
    %c0_i32 = arith.constant 0 : i32
    %c0_i32_2 = arith.constant 0 : i32
    return %get3A_1, %c0_i32 : i32, i32
  }
  func.func @transform_2(%arg0: i32, %arg1: memref<4x928xi32, #tpu.memory_space<smem>>) -> (i32, i32) {
    %c0_i32 = arith.constant 0 : i32
    %c0_i32_0 = arith.constant 0 : i32
    %c0_i32_1 = arith.constant 0 : i32
    return %c0_i32, %c0_i32_0 : i32, i32
  }
  func.func @transform_3(%arg0: i32, %arg1: memref<4x928xi32, #tpu.memory_space<smem>>) -> (i32, i32) {
    %c0_i32 = arith.constant 0 : i32
    %c0_i32_0 = arith.constant 0 : i32
    %c0_i32_1 = arith.constant 0 : i32
    return %c0_i32, %c0_i32_0 : i32, i32
  }
  func.func @transform_4(%arg0: i32, %arg1: memref<4x928xi32, #tpu.memory_space<smem>>) -> (i32, i32) {
    %c0_i32 = arith.constant 0 : i32
    %c0_i32_0 = arith.constant 0 : i32
    %c0_i32_1 = arith.constant 0 : i32
    return %c0_i32, %c0_i32_0 : i32, i32
  }
  func.func @transform_5(%arg0: i32, %arg1: memref<4x928xi32, #tpu.memory_space<smem>>) -> (i32, i32) {
    %c0_i32 = arith.constant 0 : i32
    %c0_i32_0 = arith.constant 0 : i32
    %c0_i32_1 = arith.constant 0 : i32
    return %c0_i32, %c0_i32_0 : i32, i32
  }
  func.func @transform_6(%arg0: i32, %arg1: memref<4x928xi32, #tpu.memory_space<smem>>) -> (i32, i32) {
    %c0_i32 = arith.constant 0 : i32
    %c0_i32_0 = arith.constant 0 : i32
    %c0_i32_1 = arith.constant 0 : i32
    return %c0_i32, %c0_i32_0 : i32, i32
  }
  func.func @transform_7(%arg0: i32, %arg1: memref<4x928xi32, #tpu.memory_space<smem>>) -> (i32, i32) {
    %c0_i32 = arith.constant 0 : i32
    %c0_i32_0 = arith.constant 0 : i32
    %c0_i32_1 = arith.constant 0 : i32
    return %c0_i32, %c0_i32_0 : i32, i32
  }
  func.func @transform_8(%arg0: i32, %arg1: memref<4x928xi32, #tpu.memory_space<smem>>) -> (i32, i32) {
    %c0_i32 = arith.constant 0 : i32
    %c0_i32_0 = arith.constant 0 : i32
    %c0_i32_1 = arith.constant 0 : i32
    return %c0_i32, %c0_i32_0 : i32, i32
  }
  func.func @transform_9(%arg0: i32, %arg1: memref<4x928xi32, #tpu.memory_space<smem>>) -> (i32, i32) {
    %c0_i32 = arith.constant 0 : i32
    %c0_i32_0 = arith.constant 0 : i32
    %c0_i32_1 = arith.constant 0 : i32
    return %c0_i32, %c0_i32_0 : i32, i32
  }
  func.func @transform_10(%arg0: i32, %arg1: memref<4x928xi32, #tpu.memory_space<smem>>) -> (i32, i32) {
    %c0_i32 = arith.constant 0 : i32
    %c0_i32_0 = arith.constant 0 : i32
    %c0_i32_1 = arith.constant 0 : i32
    return %c0_i32, %c0_i32_0 : i32, i32
  }
  func.func @transform_11(%arg0: i32, %arg1: memref<4x928xi32, #tpu.memory_space<smem>>) -> (i32, i32) {
    %c0_i32 = arith.constant 0 : i32
    %c0_i32_0 = arith.constant 0 : i32
    %c0_i32_1 = arith.constant 0 : i32
    return %c0_i32, %c0_i32_0 : i32, i32
  }
  func.func @transform_12(%arg0: i32, %arg1: memref<4x928xi32, #tpu.memory_space<smem>>) -> (i32, i32) {
    %get3A = arith.constant 1 : index
    %get3A_0 = arith.index_cast %arg0 : i32 to index
    %get3A_1 = memref.load %arg1[%get3A, %get3A_0] : memref<4x928xi32, #tpu.memory_space<smem>>
    %c0_i32 = arith.constant 0 : i32
    %c0_i32_2 = arith.constant 0 : i32
    return %get3A_1, %c0_i32 : i32, i32
  }
  func.func @transform_13(%arg0: i32, %arg1: memref<4x928xi32, #tpu.memory_space<smem>>) -> (i32, i32) {
    %get3A = arith.constant 0 : index
    %get3A_0 = arith.index_cast %arg0 : i32 to index
    %get3A_1 = memref.load %arg1[%get3A, %get3A_0] : memref<4x928xi32, #tpu.memory_space<smem>>
    %c0_i32 = arith.constant 0 : i32
    %c0_i32_2 = arith.constant 0 : i32
    return %get3A_1, %c0_i32 : i32, i32
  }
}

</mosaic_0001>

<sc_bundles>
// kernel: kernel.4.cloned.1.call-start
scs
__scs_entry_jumppad:
0x0: {  	(pc) =	sbr.rel $0x88, $3  }
0x1: {  	(tag) =	ssettag $0x0;
	lr =	simm.s32 $0x1  }
0x2: {  	[smem:$0x3F93] =	sst lr;
	_ =	strace $0xD0000000  }
0x3: {  	_ = 	snop  }
0x4: {  	_ = 	snop  }
0x5: {  	_ = 	snop  }
0x6: {  	_ = 	snop  }
0x7: {  	_ = 	snop  }
__scs_overlays_trampoline_lowered:
0x8: {  	[smem:$0x3FA2] =	sst s0  }
0x9: {  	[smem:$0x3FA3] =	sst s1  }
0xa: {  	[smem:$0x3FA4] =	sst s2  }
0xb: {  	[smem:$0x3FA5] =	sst s3  }
0xc: {  	[smem:$0x3FA6] =	sst s4  }
0xd: {  	[smem:$0x3FA7] =	sst s5  }
0xe: {  	[smem:$0x3FA8] =	sst s6  }
0xf: {  	[smem:$0x3FA9] =	sst s7  }
0x10: {  	[smem:$0x3FAA] =	sst s8  }
0x11: {  	[smem:$0x3FAB] =	sst s9;
	s0 =	simm.s32 @!p0 $0x0  }
0x12: {  	s1 =	sld [smem:$0x3F91];
	s0 =	simm.s32 @p0 $0x1  }
0x13: {  	[smem:$0x3FAC] =	sst s0;
	s0 =	simm.s32 @!p1 $0x0  }
0x14: {  	s2 =	sld [smem:$0x3F90];
	s0 =	simm.s32 @p1 $0x1  }
0x15: {  	[smem:$0x3FAD] =	sst s0;
	s0 =	simm.s32 @!p2 $0x0  }
0x16: {  	s3 =	sld [smem:$0x3FDB];
	s0 =	simm.s32 @p2 $0x1  }
0x17: {  	s4 =	simm.s32 $0x1BF5;
	[smem:$0x3FAF] =	sst s0  }
0x18: {  	s0 =	sld [smem:$0x3F92];
	_ =	swait.ge [sflag:s4], $0x0  }
0x19: {  	s7 =	sld [smem:$0x3F93]  }
0x1a: {  	s8 =	sadd.s32 $0xFFFFE003, lr  }
0x1b: {  	s9 =	sadd.s32 $0xFFFFFEF7, lr;
	s5 =	simm.s32 $0xFFFFFFFF;
	p2 =	slt.u32 s8, $0xFFFFF086  }
0x1c: {  	p1 =	slt.u32 s9, $0xF7A;
	s5 =	simm.s32 @!p2 $0x0  }
0x1d: {  	s5 =	simm.s32 @p1 $0x1;
	p0 =	seq.s32 s7, s2  }
0x1e: {  	s7 =	smul.u32 @!p0 $0xF7A, s2;
	p2 =	seq.s32 @!p0 s5, $0x0  }
0x1f: {  	s9 =	smul.u32 $0xF7A, s1;
	s8 =	simm.s32 @!p0 $0x1BF5;
	p2 =	por !p2, p0  }
0x20: {  	[sflag:s8] =	ssyncset.s32 @!p0 $0xFFFFF086;
	s6 =	sadd.s32 @!p0 s3, s7;
	s7 =	simm.s32 @!p0 $0x108  }
0x21: {  	s3 =	sadd.s32 s3, s9;
	s6 =	sadd.s32 @!p0 $0x88, s6;
	s7 =	simm.s32 @p2 $0x1082  }
0x22: {  	[simem:s7], [sflag:s8] =	dma.local @!p0 [hbm:s6], $0xF7A  }
0x23: {  	s9 =	sor.u32 $0xD0000000, s2;
	s6 =	simm.s32 $0x108;
	_ =	swait.ge @!p0 [sflag:s8], $0x0  }
0x24: {  	s3 =	sadd.s32 $0x88, s3;
	s6 =	simm.s32 @!p1 $0x1082;
	[sflag:s4] =	ssyncset.s32 $0xFFFFF086  }
0x25: {  	[simem:s6], [sflag:s4] =	dma.local [hbm:s3], $0xF7A  }
0x26: {  	[smem:$0x3F93] =	sst s1;
	(tag) =	ssettag s2;
	_ =	strace s9  }
0x27: {  	s1 =	sld [smem:$0x3FA3]  }
0x28: {  	s2 =	sld [smem:$0x3FA4]  }
0x29: {  	s4 =	sld [smem:$0x3FA6]  }
0x2a: {  	p0 =	seq.s32 s5, $0x0;
	s5 =	sld [smem:$0x3FA7]  }
0x2b: {  	s6 =	sld [smem:$0x3FA8]  }
0x2c: {  	s7 =	sld [smem:$0x3FA9]  }
0x2d: {  	s3 =	simm.s32 $0x108;
	s8 =	sld [smem:$0x3FAA]  }
0x2e: {  	s3 =	simm.s32 @!p0 $0x1082;
	s9 =	sld [smem:$0x3FAB]  }
0x2f: {  	lr =	sadd.s32 s0, s3;
	s0 =	sld [smem:$0x3FA2]  }
0x30: {  	s3 =	sld [smem:$0x3FA5]  }
0x31: {  	[smem:$0x3FAE] =	sst s10  }
0x32: {  	s10 =	sld [smem:$0x3FAC];
	_ =	sdelay $0x3  }
0x33: {  	p0 =	seq.s32 s10, $0x1;
	s10 =	sld [smem:$0x3FAE];
	_ =	sdelay $0x3  }
0x34: {  	[smem:$0x3FAE] =	sst s10  }
0x35: {  	s10 =	sld [smem:$0x3FAD];
	_ =	sdelay $0x3  }
0x36: {  	p1 =	seq.s32 s10, $0x1;
	s10 =	sld [smem:$0x3FAE];
	_ =	sdelay $0x3  }
0x37: {  	[smem:$0x3FAE] =	sst s10  }
0x38: {  	s10 =	sld [smem:$0x3FAF]  }
0x39: {  	_ = 	snop;
	(pc) =	sbr.ind lr, $3  }
0x3a: {  	_ = 	snop  }
0x3b: {  	_ = 	snop  }
0x3c: {  	p2 =	seq.s32 s10, $0x1;
	s10 =	sld [smem:$0x3FAE]  }
0x3d: {  	_ =	shalt  }
0x3e: {  	_ =	shalt  }
0x3f: {  	_ =	shalt  }
0x40: {  	_ =	shalt  }
0x41: {  	_ =	shalt  }
0x42: {  	_ =	shalt  }
0x43: {  	_ =	shalt  }
0x44: {  	_ =	shalt  }
0x45: {  	_ =	shalt  }
0x46: {  	_ =	shalt  }
0x47: {  	_ =	shalt  }
0x48: {  	_ =	shalt  }
0x49: {  	_ =	shalt  }
0x4a: {  	_ =	shalt  }
0x4b: {  	_ =	shalt  }
0x4c: {  	_ =	shalt  }
0x4d: {  	_ =	shalt  }
0x4e: {  	_ =	shalt  }
0x4f: {  	_ =	shalt  }
0x50: {  	_ =	shalt  }
0x51: {  	_ =	shalt  }
0x52: {  	_ =	shalt  }
0x53: {  	_ =	shalt  }
0x54: {  	_ =	shalt  }
0x55: {  	_ =	shalt  }
0x56: {  	_ =	shalt  }
0x57: {  	_ =	shalt  }
0x58: {  	_ =	shalt  }
0x59: {  	_ =	shalt  }
0x5a: {  	_ =	shalt  }
0x5b: {  	_ =	shalt  }
0x5c: {  	_ =	shalt  }
0x5d: {  	_ =	shalt  }
0x5e: {  	_ =	shalt  }
0x5f: {  	_ =	shalt  }
0x60: {  	_ =	shalt  }
0x61: {  	_ =	shalt  }
0x62: {  	_ =	shalt  }
0x63: {  	_ =	shalt  }
0x64: {  	_ =	shalt  }
0x65: {  	_ =	shalt  }
0x66: {  	_ =	shalt  }
0x67: {  	_ =	shalt  }
0x68: {  	_ =	shalt  }
0x69: {  	_ =	shalt  }
0x6a: {  	_ =	shalt  }
0x6b: {  	_ =	shalt  }
0x6c: {  	_ =	shalt  }
0x6d: {  	_ =	shalt  }
0x6e: {  	_ =	shalt  }
0x6f: {  	_ =	shalt  }
0x70: {  	_ =	shalt  }
0x71: {  	_ =	shalt  }
0x72: {  	_ =	shalt  }
0x73: {  	_ =	shalt  }
0x74: {  	_ =	shalt  }
0x75: {  	_ =	shalt  }
0x76: {  	_ =	shalt  }
0x77: {  	_ =	shalt  }
0x78: {  	_ =	shalt  }
0x79: {  	_ =	shalt  }
0x7a: {  	_ =	shalt  }
0x7b: {  	_ =	shalt  }
0x7c: {  	_ =	shalt  }
0x7d: {  	_ =	shalt  }
0x7e: {  	_ =	shalt  }
0x7f: {  	_ =	shalt  }
0x80: {  	_ =	shalt  }
0x81: {  	_ =	shalt  }
0x82: {  	_ =	shalt  }
0x83: {  	_ =	shalt  }
0x84: {  	_ =	shalt  }
0x85: {  	_ =	shalt  }
0x86: {  	_ =	shalt  }
0x87: {  	_ =	shalt  }
.Lfunc_end0:
.L_simem_size_0:
called_computation.2_lowered:
.L_overlay_start_0:
0x88: {  	s2 =	sld [smem:$0x3FD9]  }
0x89: {  	s3 =	sld [smem:$0x3FFE];
	_ =	sdelay $0x1  }
0x8a: {  	s1 =	srdreg.scid  }
0x8b: {  	s0 =	sand.u32 $0x1, s1  }
0x8c: {  	s17 =	sshll.u32 s0, $0xA;
	s2 =	sadd.s32 s3, s2  }
0x8d: {  	s2 =	sadd.s32 s2, s17  }
0x8e: {  	[smem:$0x3FBA] =	sst s2  }
0x8f: {  	_ = 	snop  }
0x90: {  	s2 =	sld [smem:$0x3FC9]  }
0x91: {  	s18 =	sld [smem:$0x3FC8];
	(tm) =	ssettm $0x1  }
0x92: {  	s4 =	sld [smem:$0x3FFB];
	_ =	sdelay $0x3  }
0x93: {  	_ =	strace s4  }
0x94: {  	s4 =	sld [smem:$0x3FFC];
	_ =	sdelay $0x3  }
0x95: {  	_ =	strace s4  }
0x96: {  	s4 =	sld [smem:$0x3FFD];
	_ =	sdelay $0x3  }
0x97: {  	_ =	strace s4  }
0x98: {  	_ =	strace $0x8FFFFFFF  }
0x99: {  	s19 =	sld [smem:$0x3FDB];
	_ =	sdelay $0x1  }
0x9a: {  	s5 =	simm.s32 $_scs_section_size  }
0x9b: {  	s6 =	simm.s32 $_size__tile_overlayer_lowered;
	s7 =	simm.s32 $_tile_overlayer_lowered  }
0x9c: {  	s22 =	simm.s32 $0x1BFF;
	s21 =	sshll.u32 s7, $0x1;
	s4 =	sadd.s32 s5, s19  }
0x9d: {  	s8 =	simm.s32 $0x0;
	s20 =	sshll.u32 s6, $0x1;
	s6 =	sadd.s32 s21, s4  }
0x9e: {  	[timem:s8], [sflag:s22] =	dma.local [hbm:s6], s20  }
0x9f: {  	_ =	swait.ge [sflag:s22], s20  }
0xa0: {  	s5 =	ssub.s32 $0x0, s20;
	[sflag:s22] =	ssyncset.done $0x0  }
0xa1: {  	[sflag:s22] =	ssyncadd.s32 s5;
	_ =	sdelay $0x1  }
0xa2: {  	s23 =	simm.s32 $0x1B8B  }
0xa3: {  	_ =	swait.ge [sflag:s23], $0x1  }
0xa4: {  	[sflag:s23] =	ssyncset.done $0x0  }
0xa5: {  	s25 =	simm.s32 $0x1B8E;
	s24 =	sld [smem:$0x3FFE];
	[sflag:s23] =	ssyncadd.s32 $0xFFFFFFFF  }
0xa6: {  	s26 =	simm.s32 $execute0_lowered;
	[smem:$0x3FD2] =	sst s25  }
0xa7: {  	s6 =	sshll.u32 s26, $0x1;
	_ =	strace $0x8000004C;
	[dreg:$0x1] =	wrdreg $0xFFFFFFFF  }
0xa8: {  	s28 =	simm.s32 $_size_execute0_lowered;
	s4 =	sadd.s32 s4, s6;
	[dreg:$0x0] =	wrdreg $0x0  }
0xa9: {  	s6 =	sshll.u32 s28, $0x1;
	[dreg:$0x2] =	wrdreg s4  }
0xaa: {  	[dreg:$0x3] =	wrdreg s6  }
0xab: {  	[dreg:$0x4] =	wrdreg $0xC0  }
0xac: {  	_ =	task [dreg:s8], $0x5FFFF  }
0xad: {  	[dreg:$0x1] =	wrdreg $0xFFFFFFFF  }
0xae: {  	[dreg:$0x0] =	wrdreg $0x60  }
0xaf: {  	[dreg:$0x2] =	wrdreg s18  }
0xb0: {  	[dreg:$0x3] =	wrdreg s2  }
0xb1: {  	[dreg:$0x4] =	wrdreg s24  }
0xb2: {  	[dreg:$0x5] =	wrdreg $0x9  }
0xb3: {  	_ =	task.clear_ibuf [dreg:s8], $0x6FFFF;
	_ =	strace $0x9000004C  }
0xb4: {  	s29 =	simm.s32 $0x9;
	_ =	strace $0x8000004E  }
0xb5: {  	_ =	swait.ge [sflag:s29], $0x1  }
0xb6: {  	[sflag:s29] =	ssyncadd.s32 $0xFFFFFFFF  }
0xb7: {  	_ =	strace $0x9000004E  }
0xb8: {  	_ =	sfence  }
0xb9: {  	s30 =	sld [smem:$0x0];
	_ =	sdelay $0x2  }
0xba: {  	s31 =	sshll.u32 s1, $0xD;
	s1 =	sshrl.u32 s1, $0x2  }
0xbb: {  	s3 =	sand.u32 $0x4000, s31;
	s1 =	sadd.s32 s1, s30  }
0xbc: {  	s0 =	sor.u32 s3, s0;
	s1 =	sshll.u32 s1, $0x11  }
0xbd: {  	s0 =	sor.u32 s1, s0  }
0xbe: {  	s0 =	sadd.s32 $0x8F2B, s0  }
0xbf: {  	[sflag:s0] =	ssyncadd.remote.s32 $0x1  }
0xc0: {  	_ =	sfence.sel $0xFFFF  }
0xc1: {  	[dreg:$0x0] =	wrdreg $0xFFFFFFFF;
	(pc) =	sbr.abs _section_cstart, $3  }
0xc2: {  	[dreg:$0x1] =	wrdreg $0xFFFFFFFF  }
0xc3: {  	_ =	task.clear_ibuf [dreg:s8], $0x2FFFF;
	_ =	strace $0x9FFFFFFF  }
0xc4: {  	(tm) =	ssettm $0x7FFFFFFF  }
0xc5: {  	_ =	shalt  }
tec
execute0_lowered:
.L_overlay_start_1:
0x0: {  	(tag) =	ssettag $0x1  }
0x1: {  	s1 =	rddreg [dreg:$0x0]  }
0x2: {  	s0 =	rddreg [dreg:$0x1]  }
0x3: {  	s2 =	rddreg [dreg:$0x2];
	s3 =	simm.s32 $0x0;
	s4 =	srdreg.scid  }
0x4: {  	s13 =	stileid.u32;
	s14 =	simm.s32 $0x5800;
	s15 =	simm.s32 $0x580  }
0x5: {  	s16 =	simm.s32 $0x6000;
	s17 =	simm.s32 $0x600;
	s18 =	simm.s32 $0x6800  }
0x6: {  	s19 =	simm.s32 $0x680;
	[smem:$0x7FF] =	sst s3;
	s12 =	smul.u32 $0x19000, s13  }
0x7: {  	s6 =	sshll.u32 s13, $0x1;
	s24 =	smul.u32 $0x320000, s13;
	s13 =	simm.s32 $0x500  }
0x8: {  	s20 =	simm.s32 $0x7000;
	_ =	strace $0x8000004D;
	[dreg:$0x8] =	wrdreg s13  }
0x9: {  	s21 =	simm.s32 $0x700;
	s28 =	simm.s32 $0x1;
	[dreg:$0x9] =	wrdreg s14  }
0xa: {  	s29 =	simm.s32 $0x400;
	s30 =	simm.s32 $0x4800;
	[dreg:$0xa] =	wrdreg s15  }
0xb: {  	s31 =	simm.s32 $0x2;
	s5 =	sand.u32 $0x1, s4;
	[dreg:$0xb] =	wrdreg s16  }
0xc: {  	s4 =	sadd.s32 $0x3200, s2;
	s9 =	sadd.s32 $0x1EB800, s2;
	[dreg:$0xc] =	wrdreg s17  }
0xd: {  	s6 =	sor.u32 s5, s6;
	s7 =	ssub.s32 $0x2, s5;
	[dreg:$0xd] =	wrdreg s18  }
0xe: {  	s26 =	smul.u32 $0x190000, s5;
	s13 =	simm.s32 $0x800;
	[dreg:$0xe] =	wrdreg s19  }
0xf: {  	s17 =	simm.s32 $0x180;
	s18 =	simm.s32 $0x2000;
	[dreg:$0xf] =	wrdreg s20  }
0x10: {  	[dreg:$0x10] =	wrdreg s21;
	s19 =	simm.s32 $0x0;
	s8 =	smul.u32 $0xC800, s6  }
0x11: {  	s10 =	sshll.u32 s6, $0xA;
	s11 =	sshrl.u32 s7, $0x1;
	s6 =	sshll.u32 s6, $0x6  }
0x12: {  	s2 =	sadd.s32 s10, s2;
	s23 =	ssub.s32 s7, s11;
	s0 =	sadd.s32 s0, s6  }
0x13: {  	s6 =	smul.u32 $0xC800, s5;
	s11 =	simm.s32 $0x480;
	s25 =	sshrl.u32 s8, $0x3  }
0x14: {  	[dreg:$0x15] =	wrdreg s0;
	s2 =	sadd.s32 $0x50B800, s2;
	s8 =	sadd.s32 s26, s24  }
0x15: {  	[dreg:$0x6] =	wrdreg s11;
	s11 =	simm.s32 $0x5;
	s24 =	simm.s32 $0x7800  }
0x16: {  	s26 =	simm.s32 $0x8000;
	s7 =	sadd.s32 s1, s25;
	[dreg:$0x16] =	wrdreg s2  }
0x17: {  	s0 =	sadd.s32 s6, s12;
	s10 =	sshrl.u32 s8, $0x4;
	[dreg:$0x11] =	wrdreg s24  }
0x18: {  	s2 =	sor.u32 $0x8000, s8;
	s12 =	simm.s32 $0x5000;
	[dreg:$0x13] =	wrdreg s26  }
0x19: {  	s6 =	simm.s32 $0x1000;
	s8 =	simm.s32 $0x1800;
	[dreg:$0x14] =	wrdreg s7  }
0x1a: {  	s25 =	simm.s32 $0x780;
	s7 =	smax.u32 s23, $0x1;
	[dreg:$0x7] =	wrdreg s12  }
0x1b: {  	s22 =	sadd.s32 $0x800, s0;
	s5 =	sadd.s32 s10, s9;
	[dreg:$0x12] =	wrdreg s25  }
0x1c: {  	s2 =	sshrl.u32 s2, $0x4;
	s0 =	sor.u32 $0x400, s0;
	[dreg:$0x17] =	wrdreg s7  }
0x1d: {  	s12 =	simm.s32 $0x80;
	[dreg:$0x4] =	wrdreg s5;
	s2 =	sadd.s32 s2, s9  }
0x1e: {  	s0 =	sshrl.u32 s0, $0x3;
	s7 =	simm.s32 $0x100;
	[dreg:$0x5] =	wrdreg s2  }
0x1f: {  	s23 =	sadd.s32 s0, s1;
	s0 =	simm.s32 $0x3;
	s2 =	simm.s32 $0x4  }
.LBB2_1:
0x20: {  	s5 =	rddreg [dreg:$0x14]  }
0x21: {  	[tilespmem:s3], [sflag:$0x5] =	stream.linear.gather [hbm4b:s5+s3], $0x400, $0x38;
	[tilespmem:$0x8800] =	vst v63  }
0x22: {  	_ =	swait.ge [sflag:s11], $0x400  }
0x23: {  	[sflag:s11] =	ssyncset.done $0x0  }
0x24: {  	[sflag:s11] =	ssyncadd.s32 $0xFFFFFC00  }
0x25: {  	[tilespmem:s13], [sflag:$0x1] =	stream.indirect.gather [hbm4b:s4+s12], $0x10, s3, s12, $0xb8;
	[tilespmem:$0x8800] =	vst v63  }
0x26: {  	_ = 	snop  }
0x27: {  	[tilespmem:s6], [sflag:$0x1] =	stream.indirect.gather [hbm4b:s4+s12], $0x10, s12, s12, $0xb8;
	[tilespmem:$0x8800] =	vst v63  }
0x28: {  	_ = 	snop  }
0x29: {  	[tilespmem:s8], [sflag:$0x1] =	stream.indirect.gather [hbm4b:s4+s12], $0x10, s7, s12, $0xb8;
	[tilespmem:$0x8800] =	vst v63  }
0x2a: {  	_ = 	snop  }
0x2b: {  	[tilespmem:s18], [sflag:$0x1] =	stream.indirect.gather [hbm4b:s4+s12], $0x10, s17, s12, $0xb8;
	[tilespmem:$0x8800] =	vst v63  }
0x2c: {  	s14 =	simm.s32 $0x200;
	s15 =	simm.s32 $0x2800  }
0x2d: {  	[tilespmem:s15], [sflag:$0x1] =	stream.indirect.gather [hbm4b:s4+s12], $0x10, s14, s12, $0xb8;
	[tilespmem:$0x8800] =	vst v63  }
0x2e: {  	s16 =	simm.s32 $0x280;
	s20 =	simm.s32 $0x3000  }
0x2f: {  	[tilespmem:s20], [sflag:$0x1] =	stream.indirect.gather [hbm4b:s4+s12], $0x10, s16, s12, $0xb8;
	[tilespmem:$0x8800] =	vst v63  }
0x30: {  	s21 =	simm.s32 $0x300;
	s24 =	simm.s32 $0x3800  }
0x31: {  	[tilespmem:s24], [sflag:$0x1] =	stream.indirect.gather [hbm4b:s4+s12], $0x10, s21, s12, $0xb8;
	[tilespmem:$0x8800] =	vst v63  }
0x32: {  	s25 =	simm.s32 $0x380;
	s26 =	simm.s32 $0x4000  }
0x33: {  	[tilespmem:s26], [sflag:$0x1] =	stream.indirect.gather [hbm4b:s4+s12], $0x10, s25, s12, $0xb8;
	[tilespmem:$0x8800] =	vst v63  }
0x34: {  	_ =	swait.ge [sflag:s28], $0x4000  }
0x35: {  	p0 =	por $0x1, $0x1;
	[sflag:s28] =	ssyncset.done $0x0  }
0x36: {  	s5 =	simm.s32 @!p0 $0x4;
	[sflag:s28] =	ssyncadd.s32 $0xFFFFC000  }
0x37: {  	_ =	swait.ge @!p0 [sflag:s5], $0x4000  }
0x38: {  	[sflag:s5] =	ssyncset.done @!p0 $0x0  }
0x39: {  	[sflag:s5] =	ssyncadd.s32 @!p0 $0xFFFFC000  }
0x3a: {  	[tilespmem:s29], [sflag:$0x5] =	stream.linear.gather [hbm4b:s23+s3], $0x400, $0x38;
	[tilespmem:$0x8800] =	vst v63  }
0x3b: {  	_ =	swait.ge [sflag:s11], $0x400  }
0x3c: {  	s6 =	rddreg [dreg:$0x4]  }
0x3d: {  	s9 =	rddreg [dreg:$0x13]  }
0x3e: {  	s10 =	rddreg [dreg:$0x11]  }
0x3f: {  	s20 =	rddreg [dreg:$0xf]  }
0x40: {  	s21 =	rddreg [dreg:$0x8]  }
0x41: {  	s24 =	rddreg [dreg:$0x6]  }
0x42: {  	[sflag:s11] =	ssyncset.done $0x0;
	s25 =	rddreg [dreg:$0x7]  }
0x43: {  	s26 =	rddreg [dreg:$0x9];
	[sflag:s11] =	ssyncadd.s32 $0xFFFFFC00  }
0x44: {  	[tilespmem:s30], [sflag:$0x2] =	stream.indirect.gather [hbm4b:s4+s12], $0x10, s29, s12, $0xb8;
	[tilespmem:$0x8800] =	vst v63  }
0x45: {  	s7 =	rddreg [dreg:$0xa]  }
0x46: {  	[tilespmem:s25], [sflag:$0x2] =	stream.indirect.gather [hbm4b:s4+s12], $0x10, s24, s12, $0xb8;
	[tilespmem:$0x8800] =	vst v63  }
0x47: {  	s8 =	rddreg [dreg:$0xb]  }
0x48: {  	[tilespmem:s26], [sflag:$0x2] =	stream.indirect.gather [hbm4b:s4+s12], $0x10, s21, s12, $0xb8;
	[tilespmem:$0x8800] =	vst v63  }
0x49: {  	s14 =	rddreg [dreg:$0xd]  }
0x4a: {  	[tilespmem:s8], [sflag:$0x2] =	stream.indirect.gather [hbm4b:s4+s12], $0x10, s7, s12, $0xb8;
	[tilespmem:$0x8800] =	vst v63  }
0x4b: {  	s15 =	rddreg [dreg:$0xc]  }
0x4c: {  	[tilespmem:s14], [sflag:$0x2] =	stream.indirect.gather [hbm4b:s4+s12], $0x10, s15, s12, $0xb8;
	[tilespmem:$0x8800] =	vst v63  }
0x4d: {  	s16 =	rddreg [dreg:$0xe]  }
0x4e: {  	[tilespmem:s20], [sflag:$0x2] =	stream.indirect.gather [hbm4b:s4+s12], $0x10, s16, s12, $0xb8;
	[tilespmem:$0x8800] =	vst v63  }
0x4f: {  	s25 =	rddreg [dreg:$0x10]  }
0x50: {  	[tilespmem:s10], [sflag:$0x2] =	stream.indirect.gather [hbm4b:s4+s12], $0x10, s25, s12, $0xb8;
	[tilespmem:$0x8800] =	vst v63  }
0x51: {  	s26 =	rddreg [dreg:$0x12]  }
0x52: {  	[tilespmem:s9], [sflag:$0x2] =	stream.indirect.gather [hbm4b:s4+s12], $0x10, s26, s12, $0xb8;
	[tilespmem:$0x8800] =	vst v63  }
0x53: {  	s5 =	sadd.s32 $0x0, s6  }
0x54: {  	[hbm4b:s5+s3] =	stream.linear.scatter [tilespmem:s13], [sflag:$0x3], $0x4000, $0x38;
	[tilespmem:$0x8800] =	vst v63  }
0x55: {  	_ =	swait.ge [sflag:s31], $0x4000  }
0x56: {  	[sflag:s31] =	ssyncset.done $0x0  }
0x57: {  	[sflag:s31] =	ssyncadd.s32 $0xFFFFC000  }
0x58: {  	p1 =	por $0x0, $0x0;
	_ =	swait.ge [sflag:s0], $0x4000  }
0x59: {  	s10 =	simm.s32 @!p1 $0x0;
	s5 =	sshrl.u32 @!p1 s22, $0x3;
	[sflag:s0] =	ssyncset.done $0x0  }
0x5a: {  	s9 =	simm.s32 @!p1 $0x5;
	s5 =	sadd.s32 @!p1 s1, s5;
	[sflag:s0] =	ssyncadd.s32 $0xFFFFC000  }
0x5b: {  	[tilespmem:s10], [sflag:$0x5] =	stream.linear.gather @!p1 [hbm4b:s5+s10], $0x400, $0x38;
	[tilespmem:$0x8800] =	vst v63  }
0x5c: {  	_ =	swait.ge @!p1 [sflag:s9], $0x400  }
0x5d: {  	[sflag:s9] =	ssyncset.done @!p1 $0x0  }
0x5e: {  	s24 =	simm.s32 @!p1 $0x80;
	s5 =	simm.s32 @!p1 $0x800;
	[sflag:s9] =	ssyncadd.s32 @!p1 $0xFFFFFC00  }
0x5f: {  	[tilespmem:s5], [sflag:$0x1] =	stream.indirect.gather @!p1 [hbm4b:s4+s24], $0x10, s10, s24, $0xb8;
	[tilespmem:$0x8800] =	vst v63  }
0x60: {  	s21 =	simm.s32 $0x1000;
	s5 =	simm.s32 @!p1 $0x1000  }
0x61: {  	[tilespmem:s5], [sflag:$0x1] =	stream.indirect.gather @!p1 [hbm4b:s4+s24], $0x10, s24, s24, $0xb8;
	[tilespmem:$0x8800] =	vst v63  }
0x62: {  	s20 =	simm.s32 $0x0;
	s9 =	simm.s32 @!p1 $0x1800;
	s5 =	simm.s32 @!p1 $0x100  }
0x63: {  	[tilespmem:s9], [sflag:$0x1] =	stream.indirect.gather @!p1 [hbm4b:s4+s24], $0x10, s5, s24, $0xb8;
	[tilespmem:$0x8800] =	vst v63  }
0x64: {  	s26 =	simm.s32 @!p1 $0x280;
	s5 =	simm.s32 @!p1 $0x180;
	s9 =	simm.s32 @!p1 $0x2000  }
0x65: {  	[tilespmem:s9], [sflag:$0x1] =	stream.indirect.gather @!p1 [hbm4b:s4+s24], $0x10, s5, s24, $0xb8;
	[tilespmem:$0x8800] =	vst v63  }
0x66: {  	s25 =	rddreg [dreg:$0x5];
	s5 =	simm.s32 @!p1 $0x200;
	s9 =	simm.s32 @!p1 $0x2800  }
0x67: {  	[tilespmem:s9], [sflag:$0x1] =	stream.indirect.gather @!p1 [hbm4b:s4+s24], $0x10, s5, s24, $0xb8;
	[tilespmem:$0x8800] =	vst v63  }
0x68: {  	s10 =	smov.u32 s23;
	s5 =	simm.s32 @!p1 $0x3000;
	s9 =	smov.u32 s22  }
.LBB2_2:
0x69: {  	[tilespmem:s5], [sflag:$0x1] =	stream.indirect.gather @!p1 [hbm4b:s4+s24], $0x10, s26, s24, $0xb8;
	[tilespmem:$0x8800] =	vst v63  }
0x6a: {  	s5 =	simm.s32 @!p1 $0x300;
	s26 =	simm.s32 @!p1 $0x3800  }
0x6b: {  	[tilespmem:s26], [sflag:$0x1] =	stream.indirect.gather @!p1 [hbm4b:s4+s24], $0x10, s5, s24, $0xb8;
	[tilespmem:$0x8800] =	vst v63  }
0x6c: {  	s5 =	simm.s32 @!p1 $0x380;
	s26 =	simm.s32 @!p1 $0x4000  }
0x6d: {  	[tilespmem:s26], [sflag:$0x1] =	stream.indirect.gather @!p1 [hbm4b:s4+s24], $0x10, s5, s24, $0xb8;
	[tilespmem:$0x8800] =	vst v63  }
0x6e: {  	s6 =	smov.u32 s21;
	s14 =	sadd.s32 s20, s25  }
0x6f: {  	[hbm4b:s14+s3] =	stream.linear.scatter [tilespmem:s30], [sflag:$0x4], $0x4000, $0x38;
	[tilespmem:$0x8800] =	vst v63  }
0x70: {  	s20 =	smov.u32 s6;
	_ =	swait.ge [sflag:s28], $0x4000  }
0x71: {  	p1 =	seq.s32 s20, $0x0;
	[sflag:s28] =	ssyncset.done $0x0  }
0x72: {  	s5 =	simm.s32 @!p1 $0x4;
	[sflag:s28] =	ssyncadd.s32 $0xFFFFC000  }
0x73: {  	_ =	swait.ge @!p1 [sflag:s5], $0x4000  }
0x74: {  	[sflag:s5] =	ssyncset.done @!p1 $0x0  }
0x75: {  	s10 =	sadd.s32 $0x100, s10;
	[sflag:s5] =	ssyncadd.s32 @!p1 $0xFFFFC000  }
0x76: {  	[tilespmem:s29], [sflag:$0x5] =	stream.linear.gather [hbm4b:s10+s3], $0x400, $0x38;
	[tilespmem:$0x8800] =	vst v63  }
0x77: {  	_ =	swait.ge [sflag:s11], $0x400  }
0x78: {  	s5 =	rddreg [dreg:$0x4]  }
0x79: {  	s6 =	rddreg [dreg:$0x13]  }
0x7a: {  	s24 =	rddreg [dreg:$0x11]  }
0x7b: {  	s25 =	rddreg [dreg:$0xf]  }
0x7c: {  	s26 =	rddreg [dreg:$0xd]  }
0x7d: {  	s7 =	rddreg [dreg:$0xa]  }
0x7e: {  	[sflag:s11] =	ssyncset.done $0x0;
	s8 =	rddreg [dreg:$0x8]  }
0x7f: {  	s14 =	rddreg [dreg:$0x6];
	[sflag:s11] =	ssyncadd.s32 $0xFFFFFC00  }
0x80: {  	[tilespmem:s30], [sflag:$0x2] =	stream.indirect.gather [hbm4b:s4+s12], $0x10, s29, s12, $0xb8;
	[tilespmem:$0x8800] =	vst v63  }
0x81: {  	s15 =	rddreg [dreg:$0x7]  }
0x82: {  	[tilespmem:s15], [sflag:$0x2] =	stream.indirect.gather [hbm4b:s4+s12], $0x10, s14, s12, $0xb8;
	[tilespmem:$0x8800] =	vst v63  }
0x83: {  	s16 =	rddreg [dreg:$0x9]  }
0x84: {  	[tilespmem:s16], [sflag:$0x2] =	stream.indirect.gather [hbm4b:s4+s12], $0x10, s8, s12, $0xb8;
	[tilespmem:$0x8800] =	vst v63  }
0x85: {  	s15 =	rddreg [dreg:$0xb]  }
0x86: {  	[tilespmem:s15], [sflag:$0x2] =	stream.indirect.gather [hbm4b:s4+s12], $0x10, s7, s12, $0xb8;
	[tilespmem:$0x8800] =	vst v63  }
0x87: {  	s16 =	rddreg [dreg:$0xc]  }
0x88: {  	[tilespmem:s26], [sflag:$0x2] =	stream.indirect.gather [hbm4b:s4+s12], $0x10, s16, s12, $0xb8;
	[tilespmem:$0x8800] =	vst v63  }
0x89: {  	s15 =	rddreg [dreg:$0xe]  }
0x8a: {  	[tilespmem:s25], [sflag:$0x2] =	stream.indirect.gather [hbm4b:s4+s12], $0x10, s15, s12, $0xb8;
	[tilespmem:$0x8800] =	vst v63  }
0x8b: {  	s16 =	rddreg [dreg:$0x10]  }
0x8c: {  	[tilespmem:s24], [sflag:$0x2] =	stream.indirect.gather [hbm4b:s4+s12], $0x10, s16, s12, $0xb8;
	[tilespmem:$0x8800] =	vst v63  }
0x8d: {  	s26 =	rddreg [dreg:$0x12]  }
0x8e: {  	[tilespmem:s6], [sflag:$0x2] =	stream.indirect.gather [hbm4b:s4+s12], $0x10, s26, s12, $0xb8;
	[tilespmem:$0x8800] =	vst v63  }
0x8f: {  	s5 =	sadd.s32 s20, s5  }
0x90: {  	[hbm4b:s5+s3] =	stream.linear.scatter [tilespmem:s13], [sflag:$0x3], $0x4000, $0x38;
	[tilespmem:$0x8800] =	vst v63  }
0x91: {  	_ =	swait.ge [sflag:s31], $0x4000  }
0x92: {  	[sflag:s31] =	ssyncset.done $0x0  }
0x93: {  	[sflag:s31] =	ssyncadd.s32 $0xFFFFC000  }
0x94: {  	s9 =	sadd.s32 $0x800, s9;
	p1 =	seq.s32 s20, $0x18000;
	_ =	swait.ge [sflag:s0], $0x4000  }
0x95: {  	s7 =	simm.s32 @!p1 $0x0;
	s5 =	sshrl.u32 @!p1 s9, $0x3;
	[sflag:s0] =	ssyncset.done $0x0  }
0x96: {  	s6 =	simm.s32 @!p1 $0x5;
	s5 =	sadd.s32 @!p1 s1, s5;
	[sflag:s0] =	ssyncadd.s32 $0xFFFFC000  }
0x97: {  	[tilespmem:s7], [sflag:$0x5] =	stream.linear.gather @!p1 [hbm4b:s5+s7], $0x400, $0x38;
	[tilespmem:$0x8800] =	vst v63  }
0x98: {  	_ =	swait.ge @!p1 [sflag:s6], $0x400  }
0x99: {  	[sflag:s6] =	ssyncset.done @!p1 $0x0  }
0x9a: {  	s24 =	simm.s32 @!p1 $0x80;
	[sflag:s6] =	ssyncadd.s32 @!p1 $0xFFFFFC00;
	s6 =	simm.s32 @!p1 $0x800  }
0x9b: {  	[tilespmem:s6], [sflag:$0x1] =	stream.indirect.gather @!p1 [hbm4b:s4+s24], $0x10, s7, s24, $0xb8;
	[tilespmem:$0x8800] =	vst v63  }
0x9c: {  	s21 =	sadd.s32 $0x1000, s21;
	s6 =	simm.s32 @!p1 $0x1000  }
0x9d: {  	[tilespmem:s6], [sflag:$0x1] =	stream.indirect.gather @!p1 [hbm4b:s4+s24], $0x10, s24, s24, $0xb8;
	[tilespmem:$0x8800] =	vst v63  }
0x9e: {  	p0 =	sne.s32 s21, $0x19000;
	s7 =	simm.s32 @!p1 $0x1800;
	s6 =	simm.s32 @!p1 $0x100  }
0x9f: {  	[tilespmem:s7], [sflag:$0x1] =	stream.indirect.gather @!p1 [hbm4b:s4+s24], $0x10, s6, s24, $0xb8;
	[tilespmem:$0x8800] =	vst v63  }
.Ltmp0:
0xa0: {  	s26 =	simm.s32 @!p1 $0x280;
	(pc) =	sbr.rel @p0 .LBB2_2-.Ltmp0, $4  }
0xa1: {  	s5 =	simm.s32 @!p1 $0x3000;
	s6 =	simm.s32 @!p1 $0x180;
	s7 =	simm.s32 @!p1 $0x2000  }
0xa2: {  	[tilespmem:s7], [sflag:$0x1] =	stream.indirect.gather @!p1 [hbm4b:s4+s24], $0x10, s6, s24, $0xb8;
	[tilespmem:$0x8800] =	vst v63  }
0xa3: {  	s25 =	rddreg [dreg:$0x5];
	s6 =	simm.s32 @!p1 $0x200;
	s7 =	simm.s32 @!p1 $0x2800  }
0xa4: {  	[tilespmem:s7], [sflag:$0x1] =	stream.indirect.gather @!p1 [hbm4b:s4+s24], $0x10, s6, s24, $0xb8;
	[tilespmem:$0x8800] =	vst v63  }
0xa5: {  	[tilespmem:s5], [sflag:$0x1] =	stream.indirect.gather @!p1 [hbm4b:s4+s24], $0x10, s26, s24, $0xb8;
	[tilespmem:$0x8800] =	vst v63  }
0xa6: {  	s5 =	simm.s32 @!p1 $0x300;
	s6 =	simm.s32 @!p1 $0x3800  }
0xa7: {  	[tilespmem:s6], [sflag:$0x1] =	stream.indirect.gather @!p1 [hbm4b:s4+s24], $0x10, s5, s24, $0xb8;
	[tilespmem:$0x8800] =	vst v63  }
0xa8: {  	s5 =	simm.s32 @!p1 $0x380;
	s6 =	simm.s32 @!p1 $0x4000  }
0xa9: {  	[tilespmem:s6], [sflag:$0x1] =	stream.indirect.gather @!p1 [hbm4b:s4+s24], $0x10, s5, s24, $0xb8;
	[tilespmem:$0x8800] =	vst v63  }
0xaa: {  	s21 =	sadd.s32 s20, s25  }
0xab: {  	[hbm4b:s21+s3] =	stream.linear.scatter [tilespmem:s30], [sflag:$0x4], $0x4000, $0x38;
	[tilespmem:$0x8800] =	vst v63  }
0xac: {  	_ =	swait.ge [sflag:s2], $0x4000  }
0xad: {  	[sflag:s2] =	ssyncset.done $0x0  }
0xae: {  	s24 =	rddreg [dreg:$0x15];
	[sflag:s2] =	ssyncadd.s32 $0xFFFFC000  }
0xaf: {  	[tilespmem:s3], [sflag:$0x5] =	stream.linear.gather [hbm4b:s24+s3], $0x200, $0x38;
	[tilespmem:$0x8800] =	vst v63  }
0xb0: {  	_ =	swait.ge [sflag:s11], $0x200  }
0xb1: {  	[sflag:s11] =	ssyncset.done $0x0  }
0xb2: {  	[sflag:s11] =	ssyncadd.s32 $0xFFFFFE00  }
0xb3: {  	[tilespmem:s13], [sflag:$0x1] =	stream.indirect.gather [hbm4b:s4+s12], $0x10, s3, s12, $0xb8;
	[tilespmem:$0x8800] =	vst v63  }
0xb4: {  	s6 =	simm.s32 $0x1000  }
0xb5: {  	[tilespmem:s6], [sflag:$0x1] =	stream.indirect.gather [hbm4b:s4+s12], $0x10, s12, s12, $0xb8;
	[tilespmem:$0x8800] =	vst v63  }
0xb6: {  	s7 =	simm.s32 $0x100;
	s8 =	simm.s32 $0x1800  }
0xb7: {  	[tilespmem:s8], [sflag:$0x1] =	stream.indirect.gather [hbm4b:s4+s12], $0x10, s7, s12, $0xb8;
	[tilespmem:$0x8800] =	vst v63  }
0xb8: {  	_ = 	snop  }
0xb9: {  	[tilespmem:s18], [sflag:$0x1] =	stream.indirect.gather [hbm4b:s4+s12], $0x10, s17, s12, $0xb8;
	[tilespmem:$0x8800] =	vst v63  }
0xba: {  	_ =	swait.ge [sflag:s28], $0x2000  }
0xbb: {  	[sflag:s28] =	ssyncset.done $0x0  }
0xbc: {  	s25 =	rddreg [dreg:$0x16];
	[sflag:s28] =	ssyncadd.s32 $0xFFFFE000  }
0xbd: {  	[hbm4b:s25+s3] =	stream.linear.scatter [tilespmem:s13], [sflag:$0x5], $0x2000, $0x38;
	[tilespmem:$0x8800] =	vst v63  }
0xbe: {  	_ =	swait.ge [sflag:s11], $0x2000  }
0xbf: {  	s19 =	sadd.s32 $0x1, s19;
	s26 =	rddreg [dreg:$0x17]  }
0xc0: {  	p0 =	sne.s32 s19, s26  }
.Ltmp1:
0xc1: {  	_ = 	snop;
	(pc) =	sbr.rel @p0 .LBB2_1-.Ltmp1, $3  }
0xc2: {  	_ =	sdelay $0x1  }
0xc3: {  	[sflag:s11] =	ssyncset.done $0x0  }
0xc4: {  	[sflag:s11] =	ssyncadd.s32 $0xFFFFE000  }
0xc5: {  	_ =	sfence.sel $0x180000  }
0xc6: {  	[bflag:$0x0] =	sbarrier.arrive $0xFFFF  }
0xc7: {  	_ =	strace $0x9000004D  }
0xc8: {  	s0 =	stileid.u32;
	[bflag:$0x2] =	sbarrier.arrive $0xFFFF  }
0xc9: {  	p0 =	sne.s32 s0, $0x0;
	s0 =	rddreg [dreg:$0x3]  }
0xca: {  	s0 =	sadd.s32 @!p0 $0x100000, s0  }
0xcb: {  	[sflag:s0] =	ssyncadd.tile.s32 @!p0 $0x1;
	_ =	shalt  }
.Lfunc_end2:
_tile_overlayer_lowered:
.L_overlay_start_2:
0xcc: {  	(tag) =	ssettag $0x2  }
0xcd: {  	s0 =	rddreg [dreg:$0x0];
	s2 =	stileid.u32  }
0xce: {  	s1 =	rddreg [dreg:$0x1];
	p0 =	sne.s32 s2, $0x0  }
0xcf: {  	s3 =	rddreg [dreg:$0x2];
	[bflag:$0x3] =	sbarrier.arrive $0xFFFF;
	s2 =	simm.s32 @!p0 $0x1C05  }
0xd0: {  	[timem:s3], [sflag:s2] =	dma.local @!p0 [hbm:s0], s1  }
0xd1: {  	s0 =	simm.s32 @!p0 $0x5  }
0xd2: {  	_ =	swait.ge @!p0 [sflag:s0], s1  }
0xd3: {  	s1 =	ssub.s32 @!p0 $0x0, s1;
	[sflag:s0] =	ssyncset.done @!p0 $0x0  }
0xd4: {  	[sflag:s0] =	ssyncadd.s32 @!p0 s1  }
0xd5: {  	[bflag:$0x3] =	sbarrier.arrive $0xFFFF  }
0xd6: {  	_ =	shalt  }

// kernel: sparse-core-data-format-call.1.cloned.1.call-start
scs
called_computation.1_lowered:
.L_overlay_start_0:
0x0: {  	s1 =	sld [smem:$0x3FD9]  }
0x1: {  	s2 =	sld [smem:$0x3FFE];
	_ =	sdelay $0x1  }
0x2: {  	s3 =	srdreg.scid  }
0x3: {  	s0 =	sand.u32 $0x1, s3  }
0x4: {  	s17 =	sshll.u32 s0, $0xA;
	s1 =	sadd.s32 s2, s1  }
0x5: {  	s1 =	sadd.s32 s1, s17  }
0x6: {  	[smem:$0x3FBA] =	sst s1  }
0x7: {  	_ = 	snop  }
0x8: {  	(tm) =	ssettm $0x1  }
0x9: {  	s18 =	sld [smem:$0x3FFB];
	_ =	sdelay $0x3  }
0xa: {  	_ =	strace s18  }
0xb: {  	s1 =	sld [smem:$0x3FFC];
	_ =	sdelay $0x3  }
0xc: {  	_ =	strace s1  }
0xd: {  	s1 =	sld [smem:$0x3FFD];
	_ =	sdelay $0x3  }
0xe: {  	_ =	strace s1  }
0xf: {  	_ =	strace $0x8FFFFFFF  }
0x10: {  	s19 =	sld [smem:$0x3FDB];
	_ =	sdelay $0x1  }
0x11: {  	s20 =	simm.s32 $_scs_section_size  }
0x12: {  	s4 =	simm.s32 $_size__tile_overlayer_lowered;
	s5 =	simm.s32 $_tile_overlayer_lowered  }
0x13: {  	s23 =	simm.s32 $0x1BFF;
	s22 =	sshll.u32 s5, $0x1;
	s1 =	sadd.s32 s20, s19  }
0x14: {  	s6 =	simm.s32 $0x0;
	s21 =	sshll.u32 s4, $0x1;
	s4 =	sadd.s32 s22, s1  }
0x15: {  	[timem:s6], [sflag:s23] =	dma.local [hbm:s4], s21  }
0x16: {  	_ =	swait.ge [sflag:s23], s21  }
0x17: {  	s2 =	ssub.s32 $0x0, s21;
	[sflag:s23] =	ssyncset.done $0x0  }
0x18: {  	[sflag:s23] =	ssyncadd.s32 s2;
	_ =	sdelay $0x1  }
0x19: {  	s24 =	simm.s32 $0x1B8B  }
0x1a: {  	_ =	swait.ge [sflag:s24], $0x1  }
0x1b: {  	[sflag:s24] =	ssyncset.done $0x0  }
0x1c: {  	s26 =	simm.s32 $0x1B8E;
	s25 =	sld [smem:$0x3FFE];
	[sflag:s24] =	ssyncadd.s32 $0xFFFFFFFF  }
0x1d: {  	s27 =	simm.s32 $execute0_lowered;
	[smem:$0x3FD2] =	sst s26  }
0x1e: {  	s4 =	sshll.u32 s27, $0x1;
	_ =	strace $0x80000046;
	[dreg:$0x1] =	wrdreg $0xFFFFFFFF  }
0x1f: {  	s28 =	simm.s32 $_size_execute0_lowered;
	s1 =	sadd.s32 s1, s4;
	[dreg:$0x0] =	wrdreg $0x0  }
0x20: {  	s4 =	sshll.u32 s28, $0x1;
	[dreg:$0x2] =	wrdreg s1  }
0x21: {  	[dreg:$0x3] =	wrdreg s4  }
0x22: {  	[dreg:$0x4] =	wrdreg $0xC0  }
0x23: {  	_ =	task [dreg:s6], $0x5FFFF  }
0x24: {  	[dreg:$0x1] =	wrdreg $0xFFFFFFFF  }
0x25: {  	[dreg:$0x0] =	wrdreg $0x60  }
0x26: {  	[dreg:$0x2] =	wrdreg s25  }
0x27: {  	[dreg:$0x3] =	wrdreg $0x9  }
0x28: {  	_ =	task.clear_ibuf [dreg:s6], $0x4FFFF;
	_ =	strace $0x90000046  }
0x29: {  	s29 =	simm.s32 $0x9;
	_ =	strace $0x80000048  }
0x2a: {  	_ =	swait.ge [sflag:s29], $0x1  }
0x2b: {  	[sflag:s29] =	ssyncadd.s32 $0xFFFFFFFF  }
0x2c: {  	_ =	strace $0x90000048  }
0x2d: {  	_ =	sfence  }
0x2e: {  	s30 =	sld [smem:$0x0];
	_ =	sdelay $0x2  }
0x2f: {  	s31 =	sshll.u32 s3, $0xD;
	s3 =	sshrl.u32 s3, $0x2  }
0x30: {  	s2 =	sand.u32 $0x4000, s31;
	s1 =	sadd.s32 s3, s30  }
0x31: {  	s0 =	sor.u32 s2, s0;
	s1 =	sshll.u32 s1, $0x11  }
0x32: {  	s0 =	sor.u32 s1, s0  }
0x33: {  	s0 =	sadd.s32 $0x8F2B, s0  }
0x34: {  	[sflag:s0] =	ssyncadd.remote.s32 $0x1  }
0x35: {  	_ =	sfence.sel $0xFFFF  }
0x36: {  	[dreg:$0x0] =	wrdreg $0xFFFFFFFF;
	(pc) =	sbr.abs _section_cstart, $3  }
0x37: {  	[dreg:$0x1] =	wrdreg $0xFFFFFFFF  }
0x38: {  	_ =	task.clear_ibuf [dreg:s6], $0x2FFFF;
	_ =	strace $0x9FFFFFFF  }
0x39: {  	(tm) =	ssettm $0x7FFFFFFF  }
tec
execute0_lowered:
.L_overlay_start_1:
0x0: {  	(tag) =	ssettag $0x1  }
0x1: {  	s0 =	srdreg.scid  }
0x2: {  	s5 =	rddreg [dreg:$0x0];
	s1 =	stileid.u32;
	s4 =	simm.s32 $0x1  }
0x3: {  	s6 =	simm.s32 $0x2;
	s15 =	simm.s32 $0x0;
	p0 =	por $0x0, $0x0  }
0x4: {  	s8 =	simm.s32 $0x80;
	s14 =	simm.s32 $0x0;
	s2 =	sshll.u32 s0, $0x4  }
0x5: {  	s9 =	simm.s32 $0x0;
	s10 =	simm.s32 $0x0;
	s2 =	sand.u32 $0x10, s2  }
.Ltmp0:
0x6: {  	s12 =	simm.s32 $0x0;
	s3 =	sor.u32 s1, s2;
	(pc) =	sbr.rel .LBB1_1-.Ltmp0, $4  }
0x7: {  	s0 =	rddreg [dreg:$0x1];
	_ =	strace $0x80000047;
	s3 =	sshll.u32 s3, $0x7  }
0x8: {  	s13 =	simm.s32 $0x0;
	[sflag:s4] =	ssyncpa.u1 $0x0;
	s7 =	ssub.s32 $0xF4200, s3  }
0x9: {  	s2 =	sadd.s32 $0x3200, s5;
	[sflag:s6] =	ssyncpa.u1 $0x0;
	s6 =	sshrl.u32 s7, $0xC  }
0xa: {  	s5 =	sadd.s32 $0x1EB800, s5;
	s11 =	smov.u32 s3;
	s7 =	sadd.s32 $0x2, s6  }
.LBB1_5:
0xb: {  	p1 =	slt.u32 s13, $0x2  }
0xc: {  	s17 =	smov.u32 s15;
	p2 =	sgt.s32 @!p1 s15, $0xF41C0;
	s16 =	sshra.s32 @!p1 s15, $0x1F  }
0xd: {  	p3 =	sgt.s32 @!p1 s14, $0x60;
	s18 =	sshra.s32 @!p1 s14, $0x1F;
	p2 =	por !p2, p1  }
0xe: {  	s15 =	sand.u32 @!p1 s16, s15;
	p3 =	por !p3, p1;
	s16 =	smov.u32 s14  }
0xf: {  	s14 =	sand.u32 @!p1 s18, s14;
	s17 =	simm.s32 @p2 $0xF41C0;
	s16 =	simm.s32 @p3 $0x60  }
0x10: {  	s15 =	ssub.s32 @!p1 s17, s15;
	s14 =	ssub.s32 @!p1 s16, s14  }
0x11: {  	s18 =	smov.u32 s12;
	s16 =	sadd.s32 @!p1 $0xFFF0BE40, s15;
	s17 =	sadd.s32 @!p1 $0xFFFFFFA0, s14  }
0x12: {  	s15 =	ssub.s32 @!p1 $0xF4240, s15;
	p2 =	sgt.s32 @!p1 s16, $0x7F;
	p3 =	sgt.s32 @!p1 s17, $0x1F  }
0x13: {  	s14 =	ssub.s32 @!p1 $0x80, s14;
	p2 =	por !p2, p1;
	p3 =	por !p3, p1  }
0x14: {  	s16 =	sadd.s32 $0x1000, s11;
	s15 =	simm.s32 @!p2 $0x0;
	s14 =	simm.s32 @!p3 $0x0  }
0x15: {  	p2 =	sgt.s32 s16, $0xF423F;
	s14 =	smul.u32 @!p1 s14, s15;
	s15 =	sadd.s32 $0x20, s12  }
0x16: {  	s18 =	smov.u32 @p2 s15  }
0x17: {  	s16 =	smov.u32 @p2 s3;
	p2 =	sgt.s32 s18, $0x1F  }
0x18: {  	p0 =	por !p0, !p0;
	s18 =	simm.s32 @p2 $0x0;
	p2 =	sne.s32 s13, s7  }
.Ltmp1:
0x19: {  	s17 =	simm.s32 @!p1 $0x2;
	s14 =	sshrl.u32 @!p1 s14, $0x1;
	(pc) =	sbr.rel @!p2 .LBB1_6-.Ltmp1, $4  }
0x1a: {  	s15 =	smov.u32 s9;
	s9 =	smov.u32 s11;
	s14 =	sand.u32 @!p1 $0x3FFFFFFF, s14  }
0x1b: {  	s11 =	smov.u32 s16;
	s13 =	sadd.s32 $0x1, s13;
	_ =	swait.ge @!p1 [sflag:s17], s14  }
0x1c: {  	s19 =	ssub.s32 @!p1 $0x0, s14;
	s14 =	smov.u32 s10;
	[sflag:s17] =	ssyncset.done @!p1 $0x0  }
0x1d: {  	s10 =	smov.u32 s12;
	s12 =	smov.u32 s18;
	[sflag:s17] =	ssyncadd.s32 @!p1 s19  }
.LBB1_1:
0x1e: {  	p1 =	sgt.u32 s13, s6  }
0x1f: {  	s16 =	sshrl.u32 @!p1 s12, $0x3  }
0x20: {  	s17 =	sshll.u32 @!p1 s11, $0x3;
	s16 =	smul.u32 @!p1 $0x7A1400, s16  }
0x21: {  	s18 =	sshll.u32 @!p1 s12, $0x7;
	s17 =	sand.u32 @!p1 $0xFFFFFC00, s17  }
0x22: {  	s16 =	sadd.s32 @!p1 s16, s17;
	s17 =	sand.u32 @!p1 $0x300, s18;
	s18 =	sshll.u32 @!p1 s11, $0x1  }
0x23: {  	s16 =	sor.u32 @!p1 s17, s16;
	s17 =	sand.u32 @!p1 $0xFE, s18  }
0x24: {  	s18 =	sand.u32 @!p1 $0x1, s12;
	s16 =	sor.u32 @!p1 s17, s16  }
0x25: {  	s17 =	sor.u32 @!p1 s18, s16  }
0x26: {  	s18 =	smulhi.u32 @!p1 $0x218D6287, s17;
	_ =	sdelay $0x1  }
0x27: {  	s16 =	smulhi.u32 @!p1 $0x218D6287, s16;
	s18 =	sshrl.u32 @!p1 s18, $0x11  }
0x28: {  	s18 =	smul.u32 @!p1 $0xF4280, s18  }
0x29: {  	s16 =	sshrl.u32 @!p1 s16, $0x11  }
0x2a: {  	s16 =	sand.u32 @!p1 $0x1F, s16;
	s17 =	ssub.s32 @!p1 s17, s18  }
0x2b: {  	s16 =	smul.u32 @!p1 $0xF428, s16;
	s18 =	sshrl.u32 @!p1 s17, $0x4  }
0x2c: {  	s19 =	sxor.u32 @!p1 $0xFFFFFFFF, s13;
	s17 =	sshll.u32 @!p1 s17, $0x11;
	s18 =	sadd.s32 @!p1 s2, s18  }
0x2d: {  	s17 =	sand.u32 @!p1 $0x1C0000, s17;
	s16 =	sadd.s32 @!p1 s16, s18;
	s18 =	sshll.u32 @!p1 s19, $0xB  }
0x2e: {  	s17 =	sor.u32 @!p1 $0x200, s17;
	s19 =	simm.s32 @!p1 $0x3D0A00;
	s18 =	sand.u32 @!p1 $0x800, s18  }
0x2f: {  	[tilespmem:s18], [sflag:$0x1] =	stream.strided.gather @!p1 [hbm4b:s16+s17], $0x800, s19, s17, $0x38;
	[tilespmem:$0x2080] =	vst v63  }
0x30: {  	p1 =	seq.s32 s13, $0x0  }
0x31: {  	p2 =	sge.u32 @!p1 s13, s7  }
0x32: {  	p1 =	por p1, p2  }
.Ltmp2:
0x33: {  	_ = 	snop;
	(pc) =	sbr.rel @p1 .LBB1_5-.Ltmp2, $1  }
0x34: {  	_ =	sdelay $0x3  }
0x35: {  	s16 =	simm.s32 $0x1  }
0x36: {  	_ =	swait.ge [sflag:s4], $0x800;
	s16 =	simm.s32 @!p0 $0x0  }
0x37: {  	[sflag:s4] =	ssyncset.done $0x0;
	s16 =	sshll.u32 s16, $0xB  }
0x38: {  	[sflag:s4] =	ssyncadd.s32 $0xFFFFF800;
	s16 =	sor.u32 $0x40, s16  }
0x39: {  	v0 =	vld [tilespmem:s16+$0x20]  }
0x3a: {  	v1 =	vld [tilespmem:s16+$0x30]  }
0x3b: {  	v2 =	vld [tilespmem:s16+$0xFFFFFFD0]  }
0x3c: {  	v5 =	vld [tilespmem:s16+$0x0]  }
0x3d: {  	v6 =	vld [tilespmem:s16+$0x10]  }
0x3e: {  	s17 =	sand.u32 $0x1, s13;
	v3 =	vld [tilespmem:s16+$0xFFFFFFE0]  }
0x3f: {  	s17 =	smul.u32 $0x2100, s17;
	v4 =	vld [tilespmem:s16+$0xFFFFFFF0]  }
0x40: {  	s18 =	simm.s32 $0x0;
	v1 =	vperm.xlane.i2c.b16 v1  }
0x41: {  	s19 =	sand.u32 $0x1C, s18;
	s17 =	sshrl.u32 s17, $0x2;
	v8 =	vld [tilespmem:s16+$0xFFFFFFC0];
	s20 =	sadd.s32 $0x80, s16;
	v7 =	vperm.xlane.i2c.b16 v0;
	v0 =	vperm.xlane.i2c.b16 v2  }
0x42: {  	s30 =	sand.u32 $0x20, s18;
	s31 =	sshrl.u32 s19, $0x1;
	s16 =	sor.u32 $0x1000, s17;
	v11 =	vld [tilespmem:s20+$0x30];
	v10 =	vperm.xlane.i2c.b16 v5;
	v13 =	vperm.xlane.i2c.b16 v6  }
0x43: {  	s17 =	sshrl.u32 s30, $0x1;
	s18 =	sadd.s32 s31, s16;
	v2 =	vld [tilespmem:s20+$0x20];
	v3 =	vperm.xlane.i2c.b16 v3;
	v9 =	vcombine.low v7, v1  }
0x44: {  	v12 =	vld [tilespmem:s20+$0xFFFFFFD0];
	s17 =	sadd.s32 s17, s18;
	v4 =	vperm.xlane.i2c.b16 v4;
	v14 =	vcombine.low v10, v13  }
0x45: {  	v1 =	vcombine.high v7, v1;
	v7 =	vld [tilespmem:s20+$0xFFFFFFE0];
	[tilespmem:s17+$0x630 ss:$0x21] =	vst.msk $0xffff, v9  }
0x46: {  	v6 =	vld [tilespmem:s20+$0xFFFFFFF0];
	v5 =	vperm.xlane.i2c.b16 v8;
	v9 =	vcombine.low v3, v4;
	[tilespmem:s17+$0x420 ss:$0x21] =	vst.msk $0xffff, v14  }
0x47: {  	s18 =	simm.s32 $0x4;
	v8 =	vperm.xlane.i2c.b16 v11;
	[tilespmem:s17+$0x631 ss:$0x21] =	vst.msk $0xffff, v1;
	v1 =	vcombine.high v3, v4;
	v4 =	vld [tilespmem:s20+$0x0]  }
0x48: {  	s19 =	simm.s32 $0x2;
	s22 =	sand.u32 $0x1C, s18;
	v10 =	vcombine.high v10, v13;
	v3 =	vld [tilespmem:s20+$0x10];
	[tilespmem:s17+$0x210 ss:$0x21] =	vst.msk $0xffff, v9;
	v9 =	vperm.xlane.i2c.b16 v2  }
0x49: {  	s21 =	sand.u32 $0x20, s18;
	s22 =	sshrl.u32 s22, $0x1;
	v11 =	vcombine.low v5, v0;
	v2 =	vld [tilespmem:s20+$0xFFFFFFC0];
	s20 =	sadd.s32 $0x80, s20;
	[tilespmem:s17+$0x211 ss:$0x21] =	vst.msk $0xffff, v1;
	v1 =	vperm.xlane.i2c.b16 v12  }
.LBB1_3:
0x4a: {  	v12 =	vld [tilespmem:s20+$0x20];
	s22 =	sadd.s32 s22, s16;
	s21 =	sshrl.u32 s21, $0x1;
	v13 =	vperm.xlane.i2c.b16 v7;
	v7 =	vcombine.low v9, v8;
	[tilespmem:s17+$0x421 ss:$0x21] =	vst.msk $0xffff, v10  }
0x4b: {  	s19 =	sadd.s32 $0x2, s19;
	v14 =	vld [tilespmem:s20+$0x30];
	s21 =	sadd.s32 s21, s22;
	v10 =	vperm.xlane.i2c.b16 v6;
	v6 =	vcombine.high v9, v8;
	[tilespmem:s17+$0x0 ss:$0x21] =	vst.msk $0xffff, v11  }
0x4c: {  	p1 =	slt.u32 s19, $0x1E;
	v11 =	vld [tilespmem:s20+$0xFFFFFFD0];
	v8 =	vperm.xlane.i2c.b16 v4;
	[tilespmem:s21+$0x630 ss:$0x21] =	vst.msk $0xffff, v7;
	v4 =	vcombine.high v5, v0;
	v0 =	vmov v1  }
.Ltmp3:
0x4d: {  	v7 =	vld [tilespmem:s20+$0xFFFFFFE0];
	v1 =	vcombine.low v13, v10;
	v3 =	vperm.xlane.i2c.b16 v3;
	[tilespmem:s21+$0x631 ss:$0x21] =	vst.msk $0xffff, v6;
	(pc) =	sbr.rel @p1 .LBB1_3-.Ltmp3, $4  }
0x4e: {  	v6 =	vld [tilespmem:s20+$0xFFFFFFF0];
	v5 =	vperm.xlane.i2c.b16 v2;
	v2 =	vcombine.high v13, v10;
	[tilespmem:s17+$0x1 ss:$0x21] =	vst.msk $0xffff, v4;
	s17 =	smov.u32 s21  }
0x4f: {  	s18 =	sadd.s32 $0x4, s18;
	v4 =	vld [tilespmem:s20+$0x0];
	[tilespmem:s17+$0x210 ss:$0x21] =	vst.msk $0xffff, v1;
	v13 =	vcombine.low v8, v3;
	v10 =	vcombine.high v8, v3  }
0x50: {  	s22 =	sand.u32 $0x1C, s18;
	v9 =	vperm.xlane.i2c.b16 v12;
	v3 =	vld [tilespmem:s20+$0x10];
	v8 =	vperm.xlane.i2c.b16 v14;
	[tilespmem:s17+$0x211 ss:$0x21] =	vst.msk $0xffff, v2  }
0x51: {  	s22 =	sshrl.u32 s22, $0x1;
	s21 =	sand.u32 $0x20, s18;
	v2 =	vld [tilespmem:s20+$0xFFFFFFC0];
	v1 =	vperm.xlane.i2c.b16 v11;
	s20 =	sadd.s32 $0x80, s20;
	v11 =	vcombine.low v5, v0;
	[tilespmem:s17+$0x420 ss:$0x21] =	vst.msk $0xffff, v13  }
0x52: {  	s18 =	sadd.s32 s22, s16;
	s19 =	sshll.u32 s9, $0x7;
	s20 =	sshll.u32 s10, $0x3  }
0x53: {  	s21 =	sshrl.u32 s21, $0x1;
	s24 =	sshll.u32 s10, $0x1;
	p1 =	sgt.s32 s9, $0xF41C0  }
0x54: {  	s22 =	smov.u32 s9;
	s26 =	sshra.s32 s9, $0x1F;
	s23 =	sand.u32 $0xFFFFFC00, s19  }
0x55: {  	s20 =	sand.u32 $0xFFFFFC00, s20;
	s19 =	sand.u32 $0x300, s19;
	s25 =	sand.u32 $0x80, s24  }
0x56: {  	s18 =	sadd.s32 s21, s18;
	s22 =	simm.s32 @!p1 $0xF41C0;
	p1 =	sgt.s32 s10, $0x60  }
0x57: {  	s21 =	smov.u32 s10;
	s20 =	sadd.s32 s20, s23;
	s23 =	sshra.s32 s10, $0x1F  }
0x58: {  	s21 =	simm.s32 @!p1 $0x60;
	s19 =	sor.u32 s19, s20;
	s20 =	sand.u32 s26, s9  }
0x59: {  	v7 =	vperm.xlane.i2c.b16 v7;
	[tilespmem:s17+$0x421 ss:$0x21] =	vst.msk $0xffff, v10;
	v0 =	vcombine.high v5, v0;
	s23 =	sand.u32 s23, s10;
	s19 =	sor.u32 s25, s19;
	s20 =	ssub.s32 s22, s20  }
0x5a: {  	v57 =	vcombine.low v9, v8;
	v6 =	vperm.xlane.i2c.b16 v6;
	[tilespmem:s17+$0x0 ss:$0x21] =	vst.msk $0xffff, v11;
	s21 =	ssub.s32 s21, s23;
	s19 =	sshrl.u32 s19, $0x7;
	s22 =	sadd.s32 $0xFFF0BE40, s20  }
0x5b: {  	v58 =	vcombine.high v9, v8;
	v4 =	vperm.xlane.i2c.b16 v4;
	[tilespmem:s17+$0x1 ss:$0x21] =	vst.msk $0xffff, v0;
	s23 =	sadd.s32 $0xFFFFFFA0, s21;
	s20 =	ssub.s32 $0xF4240, s20;
	s21 =	ssub.s32 $0x80, s21  }
0x5c: {  	[tilespmem:s18+$0x630 ss:$0x21] =	vst.msk $0xffff, v57;
	v59 =	vcombine.low v7, v6;
	v3 =	vperm.xlane.i2c.b16 v3;
	s27 =	smulhi.u32 $0x218DEF5, s19;
	p1 =	sgt.s32 s22, $0x7F;
	p2 =	sgt.s32 s23, $0x1F  }
0x5d: {  	[tilespmem:s18+$0x631 ss:$0x21] =	vst.msk $0xffff, v58;
	v60 =	vcombine.high v7, v6;
	s20 =	simm.s32 @p1 $0x0;
	s21 =	simm.s32 @p2 $0x0  }
0x5e: {  	v2 =	vperm.xlane.i2c.b16 v2;
	[tilespmem:s18+$0x210 ss:$0x21] =	vst.msk $0xffff, v59;
	v61 =	vcombine.low v4, v3;
	s17 =	sshrl.u32 s27, $0xD;
	s20 =	smul.u32 s21, s20  }
0x5f: {  	v3 =	vcombine.high v4, v3;
	[tilespmem:s18+$0x211 ss:$0x21] =	vst.msk $0xffff, v60;
	s17 =	smul.u32 $0xF4240, s17  }
.Ltmp4:
0x60: {  	s28 =	sshrl.u32 s10, $0x3;
	s29 =	sand.u32 $0x7, s10;
	v62 =	vcombine.low v2, v1;
	[tilespmem:s18+$0x420 ss:$0x21] =	vst.msk $0xffff, v61;
	(pc) =	sbr.rel .LBB1_5-.Ltmp4, $4  }
0x61: {  	v63 =	vcombine.high v2, v1;
	[tilespmem:s18+$0x421 ss:$0x21] =	vst.msk $0xffff, v3;
	s21 =	sshll.u32 s29, $0x12;
	s17 =	ssub.s32 s19, s17;
	s19 =	sand.u32 $0x7, s28  }
0x62: {  	[tilespmem:s18+$0x0 ss:$0x21] =	vst.msk $0xffff, v62;
	s20 =	sshrl.u32 s20, $0x1;
	s17 =	sshll.u32 s17, $0x3;
	s19 =	sadd.s32 s5, s19  }
0x63: {  	[tilespmem:s18+$0x1 ss:$0x21] =	vst.msk $0xffff, v63;
	s31 =	sor.u32 $0x20, s21;
	s30 =	sand.u32 $0x3FFFFFFF, s20;
	s17 =	sadd.s32 s17, s19  }
0x64: {  	[hbm4b:s17+s31] =	stream.strided.scatter [tilespmem:s16], [sflag:$0x2], s30, s8, s31, $0x10;
	[tilespmem:$0x2080] =	vst v63  }
.LBB1_6:
0x65: {  	_ =	sfence.sel $0x180000  }
0x66: {  	s2 =	simm.s32 $0x1;
	[bflag:$0x0] =	sbarrier.arrive $0xFFFF  }
0x67: {  	s31 =	simm.s32 $0x2;
	[sflag:s2] =	ssyncpa.u1 $0x1  }
0x68: {  	[sflag:s31] =	ssyncpa.u1 $0x1  }
0x69: {  	p0 =	sne.s32 s1, $0x0;
	_ =	strace $0x90000047  }
0x6a: {  	s0 =	sadd.s32 @!p0 $0x100000, s0;
	[bflag:$0x2] =	sbarrier.arrive $0xFFFF  }
0x6b: {  	[sflag:s0] =	ssyncadd.tile.s32 @!p0 $0x1;
	_ =	shalt  }
.Lfunc_end1:
_tile_overlayer_lowered:
.L_overlay_start_2:
0x6c: {  	(tag) =	ssettag $0x2  }
0x6d: {  	s0 =	rddreg [dreg:$0x0];
	s2 =	stileid.u32  }
0x6e: {  	s1 =	rddreg [dreg:$0x1];
	p0 =	sne.s32 s2, $0x0  }
0x6f: {  	s3 =	rddreg [dreg:$0x2];
	[bflag:$0x3] =	sbarrier.arrive $0xFFFF;
	s2 =	simm.s32 @!p0 $0x1C01  }
0x70: {  	[timem:s3], [sflag:s2] =	dma.local @!p0 [hbm:s0], s1  }
0x71: {  	s0 =	simm.s32 @!p0 $0x1  }
0x72: {  	_ =	swait.ge @!p0 [sflag:s0], s1  }
0x73: {  	s1 =	ssub.s32 @!p0 $0x0, s1;
	[sflag:s0] =	ssyncset.done @!p0 $0x0  }
0x74: {  	[sflag:s0] =	ssyncadd.s32 @!p0 s1  }
0x75: {  	[bflag:$0x3] =	sbarrier.arrive $0xFFFF  }
0x76: {  	_ =	shalt  }

// kernel: sparse-core-data-format-call.cloned.1.call-start
scs
called_computation_lowered:
.L_overlay_start_0:
0x0: {  	s1 =	sld [smem:$0x3FD9]  }
0x1: {  	s2 =	sld [smem:$0x3FFE];
	_ =	sdelay $0x1  }
0x2: {  	s3 =	srdreg.scid  }
0x3: {  	s0 =	sand.u32 $0x1, s3  }
0x4: {  	s17 =	sshll.u32 s0, $0xA;
	s1 =	sadd.s32 s2, s1  }
0x5: {  	s1 =	sadd.s32 s1, s17  }
0x6: {  	[smem:$0x3FBA] =	sst s1  }
0x7: {  	_ = 	snop  }
0x8: {  	(tm) =	ssettm $0x1  }
0x9: {  	s18 =	sld [smem:$0x3FFB];
	_ =	sdelay $0x3  }
0xa: {  	_ =	strace s18  }
0xb: {  	s1 =	sld [smem:$0x3FFC];
	_ =	sdelay $0x3  }
0xc: {  	_ =	strace s1  }
0xd: {  	s1 =	sld [smem:$0x3FFD];
	_ =	sdelay $0x3  }
0xe: {  	_ =	strace s1  }
0xf: {  	_ =	strace $0x8FFFFFFF  }
0x10: {  	s19 =	sld [smem:$0x3FDB];
	_ =	sdelay $0x1  }
0x11: {  	s20 =	simm.s32 $_scs_section_size  }
0x12: {  	s4 =	simm.s32 $_size__tile_overlayer_lowered;
	s5 =	simm.s32 $_tile_overlayer_lowered  }
0x13: {  	s23 =	simm.s32 $0x1BFF;
	s22 =	sshll.u32 s5, $0x1;
	s1 =	sadd.s32 s20, s19  }
0x14: {  	s6 =	simm.s32 $0x0;
	s21 =	sshll.u32 s4, $0x1;
	s4 =	sadd.s32 s22, s1  }
0x15: {  	[timem:s6], [sflag:s23] =	dma.local [hbm:s4], s21  }
0x16: {  	_ =	swait.ge [sflag:s23], s21  }
0x17: {  	s2 =	ssub.s32 $0x0, s21;
	[sflag:s23] =	ssyncset.done $0x0  }
0x18: {  	[sflag:s23] =	ssyncadd.s32 s2;
	_ =	sdelay $0x1  }
0x19: {  	s24 =	simm.s32 $0x1B8B  }
0x1a: {  	_ =	swait.ge [sflag:s24], $0x1  }
0x1b: {  	[sflag:s24] =	ssyncset.done $0x0  }
0x1c: {  	s26 =	simm.s32 $0x1B8E;
	s25 =	sld [smem:$0x3FFE];
	[sflag:s24] =	ssyncadd.s32 $0xFFFFFFFF  }
0x1d: {  	s27 =	simm.s32 $execute0_lowered;
	[smem:$0x3FD2] =	sst s26  }
0x1e: {  	s4 =	sshll.u32 s27, $0x1;
	_ =	strace $0x80000049;
	[dreg:$0x1] =	wrdreg $0xFFFFFFFF  }
0x1f: {  	s28 =	simm.s32 $_size_execute0_lowered;
	s1 =	sadd.s32 s1, s4;
	[dreg:$0x0] =	wrdreg $0x0  }
0x20: {  	s4 =	sshll.u32 s28, $0x1;
	[dreg:$0x2] =	wrdreg s1  }
0x21: {  	[dreg:$0x3] =	wrdreg s4  }
0x22: {  	[dreg:$0x4] =	wrdreg $0xC0  }
0x23: {  	_ =	task [dreg:s6], $0x5FFFF  }
0x24: {  	[dreg:$0x1] =	wrdreg $0xFFFFFFFF  }
0x25: {  	[dreg:$0x0] =	wrdreg $0x60  }
0x26: {  	[dreg:$0x2] =	wrdreg s25  }
0x27: {  	[dreg:$0x3] =	wrdreg $0x9  }
0x28: {  	_ =	task.clear_ibuf [dreg:s6], $0x4FFFF;
	_ =	strace $0x90000049  }
0x29: {  	s29 =	simm.s32 $0x9;
	_ =	strace $0x8000004B  }
0x2a: {  	_ =	swait.ge [sflag:s29], $0x1  }
0x2b: {  	[sflag:s29] =	ssyncadd.s32 $0xFFFFFFFF  }
0x2c: {  	_ =	strace $0x9000004B  }
0x2d: {  	_ =	sfence  }
0x2e: {  	s30 =	sld [smem:$0x0];
	_ =	sdelay $0x2  }
0x2f: {  	s31 =	sshll.u32 s3, $0xD;
	s3 =	sshrl.u32 s3, $0x2  }
0x30: {  	s2 =	sand.u32 $0x4000, s31;
	s1 =	sadd.s32 s3, s30  }
0x31: {  	s0 =	sor.u32 s2, s0;
	s1 =	sshll.u32 s1, $0x11  }
0x32: {  	s0 =	sor.u32 s1, s0  }
0x33: {  	s0 =	sadd.s32 $0x8F2B, s0  }
0x34: {  	[sflag:s0] =	ssyncadd.remote.s32 $0x1  }
0x35: {  	_ =	sfence.sel $0xFFFF  }
0x36: {  	[dreg:$0x0] =	wrdreg $0xFFFFFFFF;
	(pc) =	sbr.abs _section_cstart, $3  }
0x37: {  	[dreg:$0x1] =	wrdreg $0xFFFFFFFF  }
0x38: {  	_ =	task.clear_ibuf [dreg:s6], $0x2FFFF;
	_ =	strace $0x9FFFFFFF  }
0x39: {  	(tm) =	ssettm $0x7FFFFFFF  }
tec
execute0_lowered:
.L_overlay_start_1:
0x0: {  	(tag) =	ssettag $0x1  }
0x1: {  	s0 =	srdreg.scid  }
0x2: {  	s5 =	rddreg [dreg:$0x0];
	s1 =	stileid.u32;
	s4 =	simm.s32 $0x1  }
0x3: {  	s6 =	simm.s32 $0x2;
	s8 =	simm.s32 $0x0;
	s2 =	sshll.u32 s0, $0x4  }
0x4: {  	s9 =	simm.s32 $0x0;
	s13 =	simm.s32 $0x0;
	s2 =	sand.u32 $0x10, s2  }
.Ltmp0:
0x5: {  	s10 =	simm.s32 $0x0;
	s3 =	sor.u32 s1, s2;
	(pc) =	sbr.rel .LBB1_1-.Ltmp0, $4  }
0x6: {  	s0 =	rddreg [dreg:$0x1];
	_ =	strace $0x8000004A;
	s3 =	sshll.u32 s3, $0x4  }
0x7: {  	s12 =	simm.s32 $0x0;
	[sflag:s4] =	ssyncpa.u1 $0x0;
	s7 =	ssub.s32 $0x3D00, s3  }
0x8: {  	s2 =	sadd.s32 $0x1EB800, s5;
	[sflag:s6] =	ssyncpa.u1 $0x0;
	s6 =	sshrl.u32 s7, $0x9  }
0x9: {  	s5 =	sadd.s32 $0x3200, s5;
	s11 =	smov.u32 s3;
	s7 =	sadd.s32 $0x2, s6  }
.LBB1_7:
0xa: {  	s15 =	sshll.u32 s12, $0xF  }
0xb: {  	s15 =	sand.u32 $0x8000, s15  }
0xc: {  	s16 =	sshll.u32 s10, $0x7;
	s15 =	sshrl.u32 s15, $0x1  }
0xd: {  	s16 =	sadd.s32 s5, s16;
	s15 =	sor.u32 $0x8000, s15  }
0xe: {  	[hbm4b:s16+s8] =	stream.linear.scatter [tilespmem:s15], [sflag:$0x2], s14, $0x38;
	[tilespmem:$0x10000] =	vst v63  }
.LBB1_8:
0xf: {  	p0 =	slt.u32 s12, $0x2  }
0x10: {  	p1 =	sgt.s32 @!p0 s13, $0x3CF9  }
0x11: {  	s14 =	smov.u32 s13;
	s15 =	sshra.s32 @!p0 s13, $0x1F;
	p1 =	por !p1, p0  }
0x12: {  	s13 =	sand.u32 @!p0 s15, s13;
	s14 =	simm.s32 @p1 $0x3CF9  }
0x13: {  	s13 =	ssub.s32 @!p0 s14, s13  }
0x14: {  	s13 =	sadd.s32 @!p0 $0xFFFFC307, s13  }
0x15: {  	s14 =	sshll.u32 @!p0 s13, $0xC  }
0x16: {  	p1 =	sgt.s32 @!p0 s13, $0xF;
	s13 =	ssub.s32 @!p0 $0x10000, s14  }
0x17: {  	s15 =	sadd.s32 $0x200, s11;
	p1 =	por !p1, p0;
	s13 =	sshrl.u32 @!p0 s13, $0x2  }
0x18: {  	s13 =	simm.s32 @!p1 $0x0;
	p1 =	sgt.s32 s15, $0x3D08  }
0x19: {  	s15 =	smov.u32 @p1 s3;
	p1 =	sne.s32 s12, s7  }
.Ltmp1:
0x1a: {  	_ = 	snop;
	(pc) =	sbr.rel @!p1 .LBB1_9-.Ltmp1, $4  }
0x1b: {  	s14 =	simm.s32 @!p0 $0x2  }
0x1c: {  	s9 =	sadd.s32 $0x8000, s9;
	_ =	swait.ge @!p0 [sflag:s14], s13;
	s16 =	ssub.s32 @!p0 $0x0, s13  }
0x1d: {  	s13 =	smov.u32 s10;
	s12 =	sadd.s32 $0x1, s12;
	[sflag:s14] =	ssyncset.done @!p0 $0x0  }
0x1e: {  	s10 =	smov.u32 s11;
	s11 =	smov.u32 s15;
	[sflag:s14] =	ssyncadd.s32 @!p0 s16  }
.LBB1_1:
0x1f: {  	p0 =	sgt.u32 s12, s6  }
0x20: {  	p1 =	sgt.s32 @!p0 s11, $0x3CF9  }
0x21: {  	s14 =	smov.u32 s11;
	s15 =	sshra.s32 @!p0 s11, $0x1F;
	p1 =	por !p1, p0  }
0x22: {  	s15 =	sand.u32 @!p0 s15, s11;
	s14 =	simm.s32 @p1 $0x3CF9  }
0x23: {  	s14 =	ssub.s32 @!p0 s14, s15  }
0x24: {  	s14 =	sadd.s32 @!p0 $0xFFFFC307, s14  }
0x25: {  	s16 =	sshll.u32 @!p0 s11, $0x7;
	s17 =	simm.s32 @!p0 $0x0;
	s15 =	sshll.u32 @!p0 s14, $0xC  }
0x26: {  	p1 =	sgt.s32 @!p0 s14, $0xF;
	s14 =	ssub.s32 @!p0 $0x10000, s15;
	s15 =	sxor.u32 @!p0 $0xFFFFFFFF, s12  }
0x27: {  	p1 =	por !p1, p0;
	s14 =	sshrl.u32 @!p0 s14, $0x2;
	s15 =	sshll.u32 @!p0 s15, $0xE  }
0x28: {  	s16 =	sadd.s32 @!p0 s2, s16;
	s14 =	simm.s32 @!p1 $0x0;
	s15 =	sand.u32 @!p0 $0x4000, s15  }
0x29: {  	[tilespmem:s15], [sflag:$0x1] =	stream.linear.gather @!p0 [hbm4b:s16+s17], s14, $0x38;
	[tilespmem:$0x10000] =	vst v63  }
0x2a: {  	p0 =	seq.s32 s12, $0x0  }
0x2b: {  	p1 =	sge.u32 @!p0 s12, s7  }
0x2c: {  	p0 =	por p0, p1  }
.Ltmp2:
0x2d: {  	_ = 	snop;
	(pc) =	sbr.rel @p0 .LBB1_8-.Ltmp2, $1  }
0x2e: {  	_ =	sdelay $0x3  }
0x2f: {  	p0 =	sgt.s32 s10, $0x3CF9;
	s14 =	smov.u32 s10;
	s15 =	sshra.s32 s10, $0x1F  }
0x30: {  	s14 =	simm.s32 @!p0 $0x3CF9;
	s15 =	sand.u32 s15, s10  }
0x31: {  	s14 =	ssub.s32 s14, s15  }
0x32: {  	s16 =	sadd.s32 $0x10, s10;
	s14 =	sadd.s32 $0xFFFFC307, s14  }
0x33: {  	p1 =	slt.s32 s16, $0x3D09;
	s30 =	sshll.u32 s14, $0xC  }
0x34: {  	s16 =	simm.s32 @!p1 $0x3D09;
	s15 =	ssub.s32 $0x10000, s30  }
0x35: {  	p0 =	sgt.s32 s14, $0xF;
	s14 =	sshrl.u32 s15, $0x2;
	s15 =	ssub.s32 s16, s10  }
0x36: {  	s14 =	simm.s32 @p0 $0x0;
	p0 =	slt.s32 s15, $0x1  }
.Ltmp3:
0x37: {  	_ = 	snop;
	(pc) =	sbr.rel @p0 .LBB1_7-.Ltmp3, $4  }
0x38: {  	_ = 	snop  }
0x39: {  	_ =	swait.ge [sflag:s4], s14  }
0x3a: {  	s31 =	ssub.s32 $0x0, s14;
	[sflag:s4] =	ssyncset.done $0x0  }
0x3b: {  	[sflag:s4] =	ssyncadd.s32 s31  }
0x3c: {  	s16 =	sshrl.u32 s9, $0x1  }
0x3d: {  	s17 =	sand.u32 $0x4000, s16  }
0x3e: {  	s18 =	simm.s32 $0x0;
	s16 =	sor.u32 $0x200, s17;
	s17 =	sor.u32 $0x8080, s17  }
.LBB1_4:
0x3f: {  	v0 =	vld [tilespmem:s16+$0xFFFFFE70]  }
0x40: {  	v1 =	vld [tilespmem:s16+$0x70]  }
0x41: {  	v2 =	vld [tilespmem:s16+$0x0]  }
0x42: {  	v3 =	vld [tilespmem:s16+$0xFFFFFE10]  }
0x43: {  	v4 =	vld [tilespmem:s16+$0x10]  }
0x44: {  	v5 =	vld [tilespmem:s16+$0xFFFFFE20]  }
0x45: {  	v7 =	vld [tilespmem:s16+$0x20]  }
0x46: {  	v11 =	vld [tilespmem:s16+$0x30];
	v6 =	vunpack.i.l.s16.s32 v0;
	v8 =	vunpack.i.u.s16.s32 v0;
	v9 =	vunpack.i.u.s16.s32 v1  }
0x47: {  	v10 =	vunpack.i.l.s16.s32 v1;
	v0 =	vunpack.i.u.s16.s32 v2;
	v1 =	vunpack.i.l.s16.s32 v2;
	v2 =	vld [tilespmem:s16+$0xFFFFFE30]  }
0x48: {  	v8 =	vpack.i.b32.b16 v9, v8;
	v9 =	vunpack.i.u.s16.s32 v3;
	v3 =	vunpack.i.l.s16.s32 v3  }
0x49: {  	v12 =	vld [tilespmem:s16+$0xFFFFFE40];
	v6 =	vpack.i.b32.b16 v10, v6;
	[tilespmem:s17+$0x70] =	vst v8;
	v8 =	vunpack.i.u.s16.s32 v4;
	v4 =	vunpack.i.l.s16.s32 v4  }
0x4a: {  	v13 =	vld [tilespmem:s16+$0x40];
	v10 =	vunpack.i.u.s16.s32 v5;
	v5 =	vunpack.i.l.s16.s32 v5;
	[tilespmem:s17+$0xFFFFFFF0] =	vst v6;
	v3 =	vpack.i.b32.b16 v4, v3  }
0x4b: {  	v6 =	vunpack.i.l.s16.s32 v7;
	v4 =	vld [tilespmem:s16+$0xFFFFFE50];
	[tilespmem:s17+$0xFFFFFF90] =	vst v3;
	v3 =	vpack.i.b32.b16 v8, v9;
	v8 =	vunpack.i.u.s16.s32 v7  }
0x4c: {  	v7 =	vunpack.i.l.s16.s32 v11;
	[tilespmem:s17+$0x10] =	vst v3;
	v3 =	vpack.i.b32.b16 v6, v5;
	v9 =	vunpack.i.u.s16.s32 v2;
	v6 =	vld [tilespmem:s16+$0x50]  }
0x4d: {  	v5 =	vunpack.i.l.s16.s32 v2;
	v2 =	vld [tilespmem:s16+$0xFFFFFE60];
	[tilespmem:s17+$0xFFFFFFA0] =	vst v3;
	v3 =	vpack.i.b32.b16 v8, v10;
	v10 =	vunpack.i.u.s16.s32 v11  }
0x4e: {  	s21 =	simm.s32 $0x0;
	v11 =	vpack.i.b32.b16 v7, v5;
	v7 =	vunpack.i.u.s16.s32 v12;
	v8 =	vunpack.i.l.s16.s32 v12;
	[tilespmem:s17+$0x20] =	vst v3;
	v3 =	vld [tilespmem:s16+$0x60]  }
0x4f: {  	s22 =	sadd.s32 $0x80, s16;
	s20 =	smov.u32 s17;
	s19 =	smov.u32 s17;
	v5 =	vld [tilespmem:s16+$0xFFFFFE00];
	[tilespmem:s17+$0xFFFFFFB0] =	vst v11;
	v10 =	vpack.i.b32.b16 v10, v9;
	v9 =	vunpack.i.u.s16.s32 v13;
	v11 =	vunpack.i.l.s16.s32 v13  }
.LBB1_5:
0x50: {  	v12 =	vld [tilespmem:s22+$0xFFFFFE70];
	[tilespmem:s20+$0x30] =	vst v10;
	v8 =	vpack.i.b32.b16 v11, v8;
	v10 =	vunpack.i.u.s16.s32 v4;
	v4 =	vunpack.i.l.s16.s32 v4  }
0x51: {  	s21 =	sadd.s32 $0x2, s21;
	v7 =	vpack.i.b32.b16 v9, v7;
	v11 =	vld [tilespmem:s22+$0x70];
	[tilespmem:s20+$0xFFFFFFC0] =	vst v8;
	v8 =	vunpack.i.u.s16.s32 v6;
	v6 =	vunpack.i.l.s16.s32 v6  }
0x52: {  	p0 =	slt.u32 s21, $0x6;
	v9 =	vld [tilespmem:s22+$0x0];
	[tilespmem:s20+$0x40] =	vst v7;
	v4 =	vpack.i.b32.b16 v6, v4;
	v6 =	vunpack.i.u.s16.s32 v2;
	v2 =	vunpack.i.l.s16.s32 v2  }
0x53: {  	v7 =	vld [tilespmem:s22+$0xFFFFFE10];
	[tilespmem:s20+$0xFFFFFFD0] =	vst v4;
	v4 =	vpack.i.b32.b16 v8, v10;
	v8 =	vunpack.i.u.s16.s32 v3;
	v3 =	vunpack.i.l.s16.s32 v3  }
0x54: {  	v10 =	vld [tilespmem:s22+$0x10];
	v13 =	vunpack.i.u.s16.s32 v5;
	v5 =	vunpack.i.l.s16.s32 v5;
	[tilespmem:s20+$0x50] =	vst v4;
	v2 =	vpack.i.b32.b16 v3, v2  }
0x55: {  	v3 =	vld [tilespmem:s22+$0xFFFFFE20];
	v4 =	vunpack.i.l.s16.s32 v12;
	v1 =	vpack.i.b32.b16 v1, v5;
	v5 =	vpack.i.b32.b16 v0, v13;
	[tilespmem:s20+$0xFFFFFFE0] =	vst v2  }
0x56: {  	v12 =	vunpack.i.u.s16.s32 v12;
	v2 =	vld [tilespmem:s22+$0x20];
	v13 =	vunpack.i.u.s16.s32 v11;
	v11 =	vunpack.i.l.s16.s32 v11;
	[tilespmem:s20+$0xFFFFFF80] =	vst v1  }
0x57: {  	s20 =	sadd.s32 $0x100, s20;
	v0 =	vunpack.i.u.s16.s32 v9;
	v1 =	vunpack.i.l.s16.s32 v9;
	v9 =	vld [tilespmem:s22+$0xFFFFFE30];
	v12 =	vpack.i.b32.b16 v13, v12;
	[tilespmem:s19+$0x0] =	vst v5  }
0x58: {  	v6 =	vpack.i.b32.b16 v8, v6;
	v5 =	vunpack.i.u.s16.s32 v7;
	v7 =	vunpack.i.l.s16.s32 v7;
	v13 =	vld [tilespmem:s22+$0x30];
	[tilespmem:s20+$0x70] =	vst v12  }
0x59: {  	v4 =	vpack.i.b32.b16 v11, v4;
	v8 =	vunpack.i.u.s16.s32 v10;
	v10 =	vunpack.i.l.s16.s32 v10;
	v12 =	vld [tilespmem:s22+$0xFFFFFE40];
	[tilespmem:s19+$0x60] =	vst v6;
	s19 =	smov.u32 s20  }
0x5a: {  	v6 =	vpack.i.b32.b16 v10, v7;
	v7 =	vunpack.i.u.s16.s32 v3;
	v3 =	vunpack.i.l.s16.s32 v3;
	v11 =	vld [tilespmem:s22+$0x40];
	[tilespmem:s20+$0xFFFFFFF0] =	vst v4  }
.Ltmp4:
0x5b: {  	v5 =	vpack.i.b32.b16 v8, v5;
	[tilespmem:s20+$0xFFFFFF90] =	vst v6;
	v8 =	vunpack.i.u.s16.s32 v2;
	v2 =	vunpack.i.l.s16.s32 v2;
	v4 =	vld [tilespmem:s22+$0xFFFFFE50];
	(pc) =	sbr.rel @p0 .LBB1_5-.Ltmp4, $4  }
0x5c: {  	[tilespmem:s20+$0x10] =	vst v5;
	v2 =	vpack.i.b32.b16 v2, v3;
	v10 =	vunpack.i.u.s16.s32 v9;
	v3 =	vunpack.i.l.s16.s32 v9;
	v6 =	vld [tilespmem:s22+$0x50]  }
0x5d: {  	v5 =	vpack.i.b32.b16 v8, v7;
	[tilespmem:s20+$0xFFFFFFA0] =	vst v2;
	v9 =	vunpack.i.u.s16.s32 v13;
	v7 =	vunpack.i.l.s16.s32 v13;
	v2 =	vld [tilespmem:s22+$0xFFFFFE60]  }
0x5e: {  	[tilespmem:s20+$0x20] =	vst v5;
	v13 =	vpack.i.b32.b16 v7, v3;
	v7 =	vunpack.i.u.s16.s32 v12;
	v8 =	vunpack.i.l.s16.s32 v12;
	v3 =	vld [tilespmem:s22+$0x60]  }
0x5f: {  	v10 =	vpack.i.b32.b16 v9, v10;
	v5 =	vld [tilespmem:s22+$0xFFFFFE00];
	[tilespmem:s20+$0xFFFFFFB0] =	vst v13;
	v9 =	vunpack.i.u.s16.s32 v11;
	v11 =	vunpack.i.l.s16.s32 v11;
	s22 =	sadd.s32 $0x80, s22  }
0x60: {  	[tilespmem:s20+$0x30] =	vst v10;
	v8 =	vpack.i.b32.b16 v11, v8  }
0x61: {  	v51 =	vunpack.i.l.s16.s32 v4;
	v7 =	vpack.i.b32.b16 v9, v7;
	[tilespmem:s20+$0xFFFFFFC0] =	vst v8;
	v52 =	vunpack.i.l.s16.s32 v6  }
0x62: {  	v53 =	vunpack.i.u.s16.s32 v4;
	s18 =	sadd.s32 $0x1, s18;
	v54 =	vunpack.i.u.s16.s32 v6;
	[tilespmem:s20+$0x40] =	vst v7;
	v55 =	vpack.i.b32.b16 v52, v51  }
0x63: {  	p0 =	sne.s32 s18, s15;
	v56 =	vunpack.i.l.s16.s32 v2;
	v4 =	vpack.i.b32.b16 v54, v53;
	[tilespmem:s20+$0xFFFFFFD0] =	vst v55;
	v57 =	vunpack.i.l.s16.s32 v3  }
.Ltmp5:
0x64: {  	[tilespmem:s20+$0x50] =	vst v4;
	v58 =	vunpack.i.l.s16.s32 v5;
	v59 =	vpack.i.b32.b16 v57, v56;
	(pc) =	sbr.rel @p0 .LBB1_4-.Ltmp5, $4  }
.Ltmp6:
0x65: {  	v61 =	vunpack.i.u.s16.s32 v2;
	v62 =	vunpack.i.u.s16.s32 v3;
	v1 =	vpack.i.b32.b16 v1, v58;
	[tilespmem:s20+$0xFFFFFFE0] =	vst v59;
	(pc) =	sbr.rel @!p0 .LBB1_7-.Ltmp6, $4  }
0x66: {  	v60 =	vunpack.i.u.s16.s32 v5;
	v63 =	vpack.i.b32.b16 v62, v61;
	[tilespmem:s20+$0xFFFFFF80] =	vst v1  }
0x67: {  	v0 =	vpack.i.b32.b16 v0, v60;
	[tilespmem:s19+$0x60] =	vst v63  }
0x68: {  	s16 =	sadd.s32 $0x400, s16;
	s17 =	sadd.s32 $0x400, s17;
	[tilespmem:s19+$0x0] =	vst v0  }
0x69: {  	_ = 	snop  }
.LBB1_9:
0x6a: {  	_ =	sfence.sel $0x180000  }
0x6b: {  	s2 =	simm.s32 $0x1;
	[bflag:$0x0] =	sbarrier.arrive $0xFFFF  }
0x6c: {  	s31 =	simm.s32 $0x2;
	[sflag:s2] =	ssyncpa.u1 $0x1  }
0x6d: {  	[sflag:s31] =	ssyncpa.u1 $0x1  }
0x6e: {  	p0 =	sne.s32 s1, $0x0;
	_ =	strace $0x9000004A  }
0x6f: {  	s0 =	sadd.s32 @!p0 $0x100000, s0;
	[bflag:$0x2] =	sbarrier.arrive $0xFFFF  }
0x70: {  	[sflag:s0] =	ssyncadd.tile.s32 @!p0 $0x1;
	_ =	shalt  }
.Lfunc_end1:
_tile_overlayer_lowered:
.L_overlay_start_2:
0x71: {  	(tag) =	ssettag $0x2  }
0x72: {  	s0 =	rddreg [dreg:$0x0];
	s2 =	stileid.u32  }
0x73: {  	s1 =	rddreg [dreg:$0x1];
	p0 =	sne.s32 s2, $0x0  }
0x74: {  	s3 =	rddreg [dreg:$0x2];
	[bflag:$0x3] =	sbarrier.arrive $0xFFFF;
	s2 =	simm.s32 @!p0 $0x1C01  }
0x75: {  	[timem:s3], [sflag:s2] =	dma.local @!p0 [hbm:s0], s1  }
0x76: {  	s0 =	simm.s32 @!p0 $0x1  }
0x77: {  	_ =	swait.ge @!p0 [sflag:s0], s1  }
0x78: {  	s1 =	ssub.s32 @!p0 $0x0, s1;
	[sflag:s0] =	ssyncset.done @!p0 $0x0  }
0x79: {  	[sflag:s0] =	ssyncadd.s32 @!p0 s1  }
0x7a: {  	[bflag:$0x3] =	sbarrier.arrive $0xFFFF  }
0x7b: {  	_ =	shalt  }

</sc_bundles>
